<compile_context>
chip_gen: v7x
topology: tpu7x:2x2x1
jax: 0.10.2.dev20260603
libtpu: 0.0.44.dev20260713+nightly
codegen_flags: <defaults>
</compile_context>

<pallas_src>
import functools

import jax
import jax.numpy as jnp
from jax import lax
from jax.experimental import pallas as pl
from jax.experimental.pallas import tpu as pltpu
from jax.experimental.pallas import tpu_sc as plsc

N = 10000
NP = 10240
NT = 32
NS = 16
EPT = 10000
B = 125
NB = EPT // B
RPT = NP // NS

_MESH = plsc.VectorSubcoreMesh(core_axis_name="c", subcore_axis_name="s")


@functools.partial(
    pl.kernel,
    out_type=jax.ShapeDtypeStruct((2, NP), jnp.float32),
    mesh=_MESH,
    scratch_types=[
        pltpu.VMEM((NB, B), jnp.int32),
        pltpu.VMEM((B,), jnp.float32),
        pltpu.VMEM_SHARED((NP,), jnp.float32),
        pltpu.SemaphoreType.DMA,
    ],
)
def _deg(dst_hbm, ones_hbm, zero_hbm, out_hbm, didx, ones_v, acc, dsem):
    c = lax.axis_index("c")
    s = lax.axis_index("s")
    wid = c * NS + s
    base = s * RPT

    pltpu.sync_copy(ones_hbm, ones_v)
    pltpu.sync_copy(dst_hbm.at[wid], didx)
    pltpu.sync_copy(zero_hbm.at[pl.ds(base, RPT)], acc.at[pl.ds(base, RPT)])
    plsc.subcore_barrier()

    def body(ch, carry):
        def fire(k, c2):
            pltpu.async_copy(ones_v, acc.at[didx.at[ch * 16 + k]], dsem,
                             add=True)
            return c2

        lax.fori_loop(0, 16, fire, 0)

        def drain(k, c2):
            pltpu.make_async_copy(ones_v, acc.at[didx.at[ch * 16 + k]],
                                  dsem).wait()
            return c2

        lax.fori_loop(0, 16, drain, 0)
        return carry

    lax.fori_loop(0, NB // 16, body, 0)
    plsc.subcore_barrier()
    pltpu.sync_copy(acc.at[pl.ds(base, RPT)], out_hbm.at[c, pl.ds(base, RPT)])


def _make_agg(D, tc_tiling=True):
    @functools.partial(
        pl.kernel,
        out_type=jax.ShapeDtypeStruct((2, NP, D), jnp.float32),
        mesh=_MESH,
        compiler_params=pltpu.CompilerParams(use_tc_tiling_on_sc=tc_tiling),
        scratch_types=[
            pltpu.VMEM_SHARED((NP, D), jnp.float32),
            pltpu.SemaphoreType.DMA,
            pltpu.SemaphoreType.DMA,
            pltpu.SemaphoreType.DMA,
            pltpu.SemaphoreType.DMA,
        ],
    )
    def agg(xs_hbm, src_hbm, dst_hbm, zero_hbm, out_hbm, acc, ga0, ga1,
            sc0, sc1):
        c = lax.axis_index("c")
        s = lax.axis_index("s")
        wid = c * NS + s
        base = s * RPT

        NH = NB // 2

        def run(sidx, didx, rows0, rows1):
            pltpu.sync_copy(zero_hbm.at[pl.ds(base, RPT)],
                            acc.at[pl.ds(base, RPT)])
            plsc.subcore_barrier()

            for p in range(2):
                pltpu.sync_copy(src_hbm.at[wid, pl.ds(p * NH, NH)], sidx)
                pltpu.sync_copy(dst_hbm.at[wid, pl.ds(p * NH, NH)], didx)
                pltpu.async_copy(xs_hbm.at[sidx.at[0]], rows0, ga0)

                def body(jj, carry):
                    j0 = 2 * jj

                    @pl.when(jj > 0)
                    def _():
                        pltpu.make_async_copy(
                            rows1, acc.at[didx.at[j0 - 1]], sc1).wait()

                    pltpu.async_copy(xs_hbm.at[sidx.at[j0 + 1]], rows1, ga1)
                    pltpu.make_async_copy(xs_hbm.at[sidx.at[j0]], rows0,
                                          ga0).wait()
                    pltpu.async_copy(rows0, acc.at[didx.at[j0]], sc0,
                                     add=True)

                    @pl.when(jj < NH // 2 - 1)
                    def _():
                        pltpu.make_async_copy(
                            rows0, acc.at[didx.at[j0]], sc0).wait()
                        pltpu.async_copy(xs_hbm.at[sidx.at[j0 + 2]], rows0,
                                         ga0)

                    pltpu.make_async_copy(xs_hbm.at[sidx.at[j0 + 1]], rows1,
                                          ga1).wait()
                    pltpu.async_copy(rows1, acc.at[didx.at[j0 + 1]], sc1,
                                     add=True)
                    return carry

                lax.fori_loop(0, NH // 2, body, 0)
                pltpu.make_async_copy(rows0, acc.at[didx.at[NH - 2]],
                                      sc0).wait()
                pltpu.make_async_copy(rows1, acc.at[didx.at[NH - 1]],
                                      sc1).wait()

            plsc.subcore_barrier()
            pltpu.sync_copy(acc.at[pl.ds(base, RPT)],
                            out_hbm.at[c, pl.ds(base, RPT)])

        pl.run_scoped(run,
                      pltpu.VMEM((NB // 2, B), jnp.int32),
                      pltpu.VMEM((NB // 2, B), jnp.int32),
                      pltpu.VMEM((B, D), jnp.float32),
                      pltpu.VMEM((B, D), jnp.float32))

    return agg


_agg128 = _make_agg(128)
_agg64 = _make_agg(64, tc_tiling=False)


_RB = 2560


def _dinv_of(degp_ref):
    d = degp_ref[0, :, 0] + degp_ref[1, :, 0] + 1.0
    return lax.rsqrt(d)[:, None]


def _tc_scale_body(degp_ref, x_ref, o_ref):
    o_ref[...] = x_ref[...] * _dinv_of(degp_ref)


def _tc_mid_body(degp_ref, p_ref, xs_ref, w1_ref, b1_ref, w2_ref, o_ref):
    dinv = _dinv_of(degp_ref)
    agg = (p_ref[0] + p_ref[1] + xs_ref[...]) * dinv
    h = jnp.maximum(jnp.dot(agg, w1_ref[...],
                            preferred_element_type=jnp.float32)
                    + b1_ref[...], 0.0)
    o_ref[...] = jnp.dot(h, w2_ref[...],
                         preferred_element_type=jnp.float32) * dinv


def _tc_dec_body(degp_ref, q_ref, xs_ref, b2_ref, w1_ref, b1_ref, w2_ref,
                 b2d_ref, o_ref):
    dinv = _dinv_of(degp_ref)
    z = (q_ref[0] + q_ref[1] + xs_ref[...]) * dinv + b2_ref[...]
    h = jnp.maximum(jnp.dot(z, w1_ref[...],
                            preferred_element_type=jnp.float32)
                    + b1_ref[...], 0.0)
    o_ref[...] = jnp.dot(h, w2_ref[...],
                         preferred_element_type=jnp.float32) + b2d_ref[...]


def _row_spec(d):
    return pl.BlockSpec((_RB, d), lambda i: (i, 0))


def _part_spec(d):
    return pl.BlockSpec((2, _RB, d), lambda i: (0, i, 0))


def _full_spec(a, b):
    return pl.BlockSpec((a, b), lambda i: (0, 0))


def _tc_scale(degp, x):
    return pl.pallas_call(
        _tc_scale_body,
        grid=(NP // _RB,),
        in_specs=[_part_spec(1), _row_spec(128)],
        out_specs=_row_spec(128),
        out_shape=jax.ShapeDtypeStruct((NP, 128), jnp.float32),
    )(degp, x)


def _tc_mid(degp, p, xs1, w1, b1, w2):
    return pl.pallas_call(
        _tc_mid_body,
        grid=(NP // _RB,),
        in_specs=[_part_spec(1), _part_spec(128), _row_spec(128),
                  _full_spec(128, 256), _full_spec(1, 256),
                  _full_spec(256, 64)],
        out_specs=_row_spec(64),
        out_shape=jax.ShapeDtypeStruct((NP, 64), jnp.float32),
    )(degp, p, xs1, w1, b1, w2)


def _tc_dec(degp, q, xs2, b2, w1, b1, w2, b2d):
    return pl.pallas_call(
        _tc_dec_body,
        grid=(NP // _RB,),
        in_specs=[_part_spec(1), _part_spec(64), _row_spec(64),
                  _full_spec(1, 64), _full_spec(64, 256), _full_spec(1, 256),
                  _full_spec(256, 8), _full_spec(1, 8)],
        out_specs=_row_spec(8),
        out_shape=jax.ShapeDtypeStruct((NP, 8), jnp.float32),
    )(degp, q, xs2, b2, w1, b1, w2, b2d)


def kernel(x, edge_index, conv1_W, conv1_b, conv2_W, conv2_b,
           fc1_W, fc1_b, fc2_W, fc2_b):
    ei = edge_index.astype(jnp.int32)
    src = ei[0].reshape(NT, NB, B)
    dst = ei[1].reshape(NT, NB, B)

    xpad = jnp.pad(x, ((0, NP - N), (0, 0)))

    degp = _deg(dst, jnp.ones((B,), jnp.float32),
                jnp.zeros((NP,), jnp.float32))[:, :, None]
    xs1 = _tc_scale(degp, xpad)
    p = _agg128(xs1, src, dst, jnp.zeros((NP, 128), jnp.float32))
    xs2 = _tc_mid(degp, p, xs1, conv1_W, conv1_b[None, :], conv2_W)
    q = _agg64(xs2, src, dst, jnp.zeros((NP, 64), jnp.float32))

    fc2p = jnp.pad(fc2_W[:, :6], ((0, 0), (0, 2)))
    fc2bp = jnp.pad(fc2_b[:6], (0, 2))
    out = _tc_dec(degp, q, xs2, conv2_b[None, :], fc1_W, fc1_b[None, :],
                  fc2p, fc2bp[None, :])
    return out[:N, :6]

# --- scband reference (transcript-rebuilt; emitter-appended) ---
"""Pipeline reference for scband-graph-autoencoder-50749333569689 (READ-ONLY COPY).

The authoritative reference and input builder live on the scoring server;
editing this copy changes nothing except your own understanding.
"""

import jax, jax.numpy as jnp
import numpy as np

N = 10000
E = 320000
D_IN = 128
D_HID = 256
D_LAT = 64


def setup_inputs(seed: int = 0) -> dict:
    key = jax.random.key(seed)
    ks = jax.random.split(key, 12)
    x = jax.random.normal(ks[0], (N, D_IN), dtype=jnp.float32)
    edge_index = jax.random.randint(ks[1], (2, E), 0, N, dtype=jnp.int64)
    s = 1.0 / np.sqrt(D_IN)
    conv1_W = jax.random.uniform(ks[2], (D_IN, D_HID), dtype=jnp.float32, minval=-s, maxval=s)
    conv1_b = jnp.zeros((D_HID,), dtype=jnp.float32)
    s2 = 1.0 / np.sqrt(D_HID)
    conv2_W = jax.random.uniform(ks[3], (D_HID, D_LAT), dtype=jnp.float32, minval=-s2, maxval=s2)
    conv2_b = jnp.zeros((D_LAT,), dtype=jnp.float32)
    s3 = 1.0 / np.sqrt(D_LAT)
    fc1_W = jax.random.uniform(ks[4], (D_LAT, D_HID), dtype=jnp.float32, minval=-s3, maxval=s3)
    fc1_b = jax.random.uniform(ks[5], (D_HID,), dtype=jnp.float32, minval=-s3, maxval=s3)
    s4 = 1.0 / np.sqrt(D_HID)
    fc2_W = jax.random.uniform(ks[6], (D_HID, D_IN), dtype=jnp.float32, minval=-s4, maxval=s4)
    fc2_b = jax.random.uniform(ks[7], (D_IN,), dtype=jnp.float32, minval=-s4, maxval=s4)
    return {"x": x, "edge_index": edge_index, "conv1_W": conv1_W, "conv1_b": conv1_b,
            "conv2_W": conv2_W, "conv2_b": conv2_b, "fc1_W": fc1_W, "fc1_b": fc1_b,
            "fc2_W": fc2_W, "fc2_b": fc2_b}


def _gcn_conv(x, edge_index, W, b):
    n = x.shape[0]
    loop = jnp.arange(n, dtype=edge_index.dtype)
    src = jnp.concatenate([edge_index[0], loop])
    dst = jnp.concatenate([edge_index[1], loop])
    deg = jax.ops.segment_sum(jnp.ones_like(src, dtype=x.dtype), dst, num_segments=n)
    dinv = jnp.where(deg > 0, deg ** -0.5, 0.0)
    norm = dinv[src] * dinv[dst]
    h = x @ W
    msgs = jnp.take(h, src, axis=0) * norm[:, None]
    out = jax.ops.segment_sum(msgs, dst, num_segments=n)
    return out + b


def reference(x, edge_index, conv1_W, conv1_b, conv2_W, conv2_b, fc1_W, fc1_b, fc2_W, fc2_b):
    # Encoder: two GCN convolutions
    h = jax.nn.relu(_gcn_conv(x, edge_index, conv1_W, conv1_b))
    z = _gcn_conv(h, edge_index, conv2_W, conv2_b)
    # Decoder: MLP, then slice to first 6 columns
    d = jax.nn.relu(z @ fc1_W + fc1_b)
    d = d @ fc2_W + fc2_b
    dec_out = d[:, :6]
    # Final slice to min(6, input_dim) columns
    out = dec_out[:, :x.shape[1]]
    return out

if __name__ == "__main__":
    import jax
    _d = setup_inputs()
    print(jax.jit(kernel)(*tuple(_d.values())))

</pallas_src>

<mosaic_0001>
#map = affine_map<(d0, d1) -> (0, 0, 0)>
#map1 = affine_map<(d0, d1) -> (0)>
#map2 = affine_map<(d0, d1) -> (0, 0)>
module attributes {stable_mosaic.version = 14 : i64} {
  func.func @_deg(%arg0: i32, %arg1: i32, %arg2: memref<32x80x125xi32, #tpu.memory_space<hbm>>, %arg3: memref<125xf32, #tpu.memory_space<hbm>>, %arg4: memref<10240xf32, #tpu.memory_space<hbm>>, %arg5: memref<2x10240xf32, #tpu.memory_space<hbm>>, %arg6: memref<80x125xi32, #tpu.memory_space<vmem>>, %arg7: memref<125xf32, #tpu.memory_space<vmem>>, %arg8: memref<10240xf32, #tpu.memory_space<vmem_shared>>, %arg9: memref<!tpu.dma_semaphore, #tpu.memory_space<semaphore_mem>>) attributes {dimension_semantics = [#tpu.dimension_semantics<core_parallel>, #tpu.dimension_semantics<subcore_parallel>], iteration_bounds = array<i64: 2, 16>, scalar_prefetch = 0 : i64, scratch_operands = 4 : i64, tpu.core_type = #tpu.core_type<sc_vector_subcore>, window_params = [{transform_indices = #map}, {transform_indices = #map1}, {transform_indices = #map1}, {transform_indices = #map2}]} {
    %mul3A = arith.constant 16 : i32
    %mul3A_0 = arith.muli %arg0, %mul3A : i32
    %add3A = arith.addi %mul3A_0, %arg1 : i32
    %mul3A_1 = arith.constant 640 : i32
    %mul3A_2 = arith.muli %arg1, %mul3A_1 : i32
    "tpu.region"() ({
      %run_scoped3A = tpu.sem_alloc : memref<!tpu.dma_semaphore, #tpu.memory_space<semaphore_mem>>
      tpu.enqueue_dma source(%arg3 : memref<125xf32, #tpu.memory_space<hbm>>) target(%arg7 : memref<125xf32, #tpu.memory_space<vmem>>) target_semaphore(%run_scoped3A : memref<!tpu.dma_semaphore, #tpu.memory_space<semaphore_mem>>)
      tpu.wait_dma2 semaphore(%run_scoped3A : memref<!tpu.dma_semaphore, #tpu.memory_space<semaphore_mem>>) src(%arg3 : memref<125xf32, #tpu.memory_space<hbm>>) dst(%arg7 : memref<125xf32, #tpu.memory_space<vmem>>)
      tpu.yield
    }) : () -> ()
    "tpu.region"() ({
      %run_scoped3A = tpu.sem_alloc : memref<!tpu.dma_semaphore, #tpu.memory_space<semaphore_mem>>
      %dma_start3A = arith.constant 0 : i32
      %dma_start3A_9 = arith.constant 0 : i32
      %dma_start3A_10 = tpu.memref_slice %arg2[%add3A, %dma_start3A, %dma_start3A_9] : memref<32x80x125xi32, #tpu.memory_space<hbm>> -> memref<1x80x125xi32, #tpu.memory_space<hbm>>
      %dma_start3A_11 = tpu.memref_squeeze %dma_start3A_10 : memref<1x80x125xi32, #tpu.memory_space<hbm>> -> memref<80x125xi32, #tpu.memory_space<hbm>>
      %dma_start3A_12 = arith.constant 0 : i32
      %dma_start3A_13 = arith.constant 0 : i32
      %dma_start3A_14 = tpu.memref_slice %arg2[%add3A, %dma_start3A_12, %dma_start3A_13] : memref<32x80x125xi32, #tpu.memory_space<hbm>> -> memref<1x80x125xi32, #tpu.memory_space<hbm>>
      %dma_start3A_15 = tpu.memref_squeeze %dma_start3A_14 : memref<1x80x125xi32, #tpu.memory_space<hbm>> -> memref<80x125xi32, #tpu.memory_space<hbm>>
      tpu.enqueue_dma source(%dma_start3A_15 : memref<80x125xi32, #tpu.memory_space<hbm>>) target(%arg6 : memref<80x125xi32, #tpu.memory_space<vmem>>) target_semaphore(%run_scoped3A : memref<!tpu.dma_semaphore, #tpu.memory_space<semaphore_mem>>)
      %dma_wait3A = arith.constant 0 : i32
      %dma_wait3A_16 = arith.constant 0 : i32
      %dma_wait3A_17 = tpu.memref_slice %arg2[%add3A, %dma_wait3A, %dma_wait3A_16] : memref<32x80x125xi32, #tpu.memory_space<hbm>> -> memref<1x80x125xi32, #tpu.memory_space<hbm>>
      %dma_wait3A_18 = tpu.memref_squeeze %dma_wait3A_17 : memref<1x80x125xi32, #tpu.memory_space<hbm>> -> memref<80x125xi32, #tpu.memory_space<hbm>>
      %dma_wait3A_19 = arith.constant 0 : i32
      %dma_wait3A_20 = arith.constant 0 : i32
      %dma_wait3A_21 = tpu.memref_slice %arg2[%add3A, %dma_wait3A_19, %dma_wait3A_20] : memref<32x80x125xi32, #tpu.memory_space<hbm>> -> memref<1x80x125xi32, #tpu.memory_space<hbm>>
      %dma_wait3A_22 = tpu.memref_squeeze %dma_wait3A_21 : memref<1x80x125xi32, #tpu.memory_space<hbm>> -> memref<80x125xi32, #tpu.memory_space<hbm>>
      tpu.wait_dma2 semaphore(%run_scoped3A : memref<!tpu.dma_semaphore, #tpu.memory_space<semaphore_mem>>) src(%dma_wait3A_22 : memref<80x125xi32, #tpu.memory_space<hbm>>) dst(%arg6 : memref<80x125xi32, #tpu.memory_space<vmem>>)
      tpu.yield
    }) : () -> ()
    "tpu.region"() ({
      %run_scoped3A = tpu.sem_alloc : memref<!tpu.dma_semaphore, #tpu.memory_space<semaphore_mem>>
      %dma_start3A = tpu.memref_slice %arg8[%mul3A_2] : memref<10240xf32, #tpu.memory_space<vmem_shared>> -> memref<640xf32, #tpu.memory_space<vmem_shared>>
      %dma_start3A_9 = tpu.memref_slice %arg4[%mul3A_2] : memref<10240xf32, #tpu.memory_space<hbm>> -> memref<640xf32, #tpu.memory_space<hbm>>
      tpu.enqueue_dma source(%dma_start3A_9 : memref<640xf32, #tpu.memory_space<hbm>>) target(%dma_start3A : memref<640xf32, #tpu.memory_space<vmem_shared>>) target_semaphore(%run_scoped3A : memref<!tpu.dma_semaphore, #tpu.memory_space<semaphore_mem>>)
      %dma_wait3A = tpu.memref_slice %arg8[%mul3A_2] : memref<10240xf32, #tpu.memory_space<vmem_shared>> -> memref<640xf32, #tpu.memory_space<vmem_shared>>
      %dma_wait3A_10 = tpu.memref_slice %arg4[%mul3A_2] : memref<10240xf32, #tpu.memory_space<hbm>> -> memref<640xf32, #tpu.memory_space<hbm>>
      tpu.wait_dma2 semaphore(%run_scoped3A : memref<!tpu.dma_semaphore, #tpu.memory_space<semaphore_mem>>) src(%dma_wait3A_10 : memref<640xf32, #tpu.memory_space<hbm>>) dst(%dma_wait3A : memref<640xf32, #tpu.memory_space<vmem_shared>>)
      tpu.yield
    }) : () -> ()
    %barrier3A = arith.constant 0 : index
    tpu.barrier barrier_id(%barrier3A)
    %scan3A = arith.constant 0 : i32
    %scan3A_3 = arith.constant 0 : i32
    %scan3A_4 = arith.constant 5 : i32
    %scan3A_5 = arith.addi %scan3A_3, %scan3A_4 : i32
    %scan3A_6 = arith.constant 1 : i32
    scf.for %scan3A_9 = %scan3A_3 to %scan3A_5 step %scan3A_6  : i32 {
      %scan3A_10 = arith.constant 0 : i32
      %scan3A_11 = arith.constant 0 : i32
      %scan3A_12 = arith.constant 16 : i32
      %scan3A_13 = arith.addi %scan3A_11, %scan3A_12 : i32
      %scan3A_14 = arith.constant 1 : i32
      scf.for %scan3A_22 = %scan3A_11 to %scan3A_13 step %scan3A_14  : i32 {
        %mul3A_23 = arith.constant 16 : i32
        %mul3A_24 = arith.muli %scan3A_9, %mul3A_23 : i32
        %add3A_25 = arith.addi %mul3A_24, %scan3A_22 : i32
        %dma_start3A = arith.constant 0 : i32
        %dma_start3A_26 = tpu.memref_slice %arg6[%add3A_25, %dma_start3A] : memref<80x125xi32, #tpu.memory_space<vmem>> -> memref<1x125xi32, #tpu.memory_space<vmem>>
        %dma_start3A_27 = tpu.memref_squeeze %dma_start3A_26 : memref<1x125xi32, #tpu.memory_space<vmem>> -> memref<125xi32, #tpu.memory_space<vmem>>
        %dma_start3A_28 = arith.constant 0 : i32
        %dma_start3A_29 = tpu.memref_slice %arg8[%dma_start3A_28] : memref<10240xf32, #tpu.memory_space<vmem_shared>> -> memref<10240xf32, #tpu.memory_space<vmem_shared>>
        tpu.enqueue_indirect_dma source(%arg7 : memref<125xf32, #tpu.memory_space<vmem>>) target(%dma_start3A_29 : memref<10240xf32, #tpu.memory_space<vmem_shared>>) offsets(%dma_start3A_27 : memref<125xi32, #tpu.memory_space<vmem>>) semaphore(%arg9 : memref<!tpu.dma_semaphore, #tpu.memory_space<semaphore_mem>>) {add = true}
      }
      %scan3A_15 = arith.constant 16 : i32
      %scan3A_16 = arith.constant 0 : i32
      %scan3A_17 = arith.constant 0 : i32
      %scan3A_18 = arith.constant 16 : i32
      %scan3A_19 = arith.addi %scan3A_17, %scan3A_18 : i32
      %scan3A_20 = arith.constant 1 : i32
      scf.for %scan3A_22 = %scan3A_17 to %scan3A_19 step %scan3A_20  : i32 {
        %mul3A_23 = arith.constant 16 : i32
        %mul3A_24 = arith.muli %scan3A_9, %mul3A_23 : i32
        %add3A_25 = arith.addi %mul3A_24, %scan3A_22 : i32
        %dma_wait3A = arith.constant 0 : i32
        %dma_wait3A_26 = tpu.memref_slice %arg6[%add3A_25, %dma_wait3A] : memref<80x125xi32, #tpu.memory_space<vmem>> -> memref<1x125xi32, #tpu.memory_space<vmem>>
        %dma_wait3A_27 = tpu.memref_squeeze %dma_wait3A_26 : memref<1x125xi32, #tpu.memory_space<vmem>> -> memref<125xi32, #tpu.memory_space<vmem>>
        %dma_wait3A_28 = arith.constant 0 : i32
        %dma_wait3A_29 = tpu.memref_slice %arg8[%dma_wait3A_28] : memref<10240xf32, #tpu.memory_space<vmem_shared>> -> memref<10240xf32, #tpu.memory_space<vmem_shared>>
        tpu.wait_indirect_dma semaphore(%arg9 : memref<!tpu.dma_semaphore, #tpu.memory_space<semaphore_mem>>) src(%arg7 : memref<125xf32, #tpu.memory_space<vmem>>) dst(%dma_wait3A_29 : memref<10240xf32, #tpu.memory_space<vmem_shared>>)
      }
      %scan3A_21 = arith.constant 16 : i32
    }
    %scan3A_7 = arith.constant 5 : i32
    %barrier3A_8 = arith.constant 0 : index
    tpu.barrier barrier_id(%barrier3A_8)
    "tpu.region"() ({
      %run_scoped3A = tpu.sem_alloc : memref<!tpu.dma_semaphore, #tpu.memory_space<semaphore_mem>>
      %dma_start3A = tpu.memref_slice %arg5[%arg0, %mul3A_2] : memref<2x10240xf32, #tpu.memory_space<hbm>> -> memref<1x640xf32, #tpu.memory_space<hbm>>
      %dma_start3A_9 = tpu.memref_squeeze %dma_start3A : memref<1x640xf32, #tpu.memory_space<hbm>> -> memref<640xf32, #tpu.memory_space<hbm>>
      %dma_start3A_10 = tpu.memref_slice %arg8[%mul3A_2] : memref<10240xf32, #tpu.memory_space<vmem_shared>> -> memref<640xf32, #tpu.memory_space<vmem_shared>>
      tpu.enqueue_dma source(%dma_start3A_10 : memref<640xf32, #tpu.memory_space<vmem_shared>>) target(%dma_start3A_9 : memref<640xf32, #tpu.memory_space<hbm>>) target_semaphore(%run_scoped3A : memref<!tpu.dma_semaphore, #tpu.memory_space<semaphore_mem>>)
      %dma_wait3A = tpu.memref_slice %arg5[%arg0, %mul3A_2] : memref<2x10240xf32, #tpu.memory_space<hbm>> -> memref<1x640xf32, #tpu.memory_space<hbm>>
      %dma_wait3A_11 = tpu.memref_squeeze %dma_wait3A : memref<1x640xf32, #tpu.memory_space<hbm>> -> memref<640xf32, #tpu.memory_space<hbm>>
      %dma_wait3A_12 = tpu.memref_slice %arg8[%mul3A_2] : memref<10240xf32, #tpu.memory_space<vmem_shared>> -> memref<640xf32, #tpu.memory_space<vmem_shared>>
      tpu.wait_dma2 semaphore(%run_scoped3A : memref<!tpu.dma_semaphore, #tpu.memory_space<semaphore_mem>>) src(%dma_wait3A_12 : memref<640xf32, #tpu.memory_space<vmem_shared>>) dst(%dma_wait3A_11 : memref<640xf32, #tpu.memory_space<hbm>>)
      tpu.yield
    }) : () -> ()
    return
  }
}

#map = affine_map<(d0, d1) -> (0, 0)>
#map1 = affine_map<(d0, d1) -> (0, 0, 0)>
module attributes {stable_mosaic.version = 14 : i64} {
  func.func @agg(%arg0: i32, %arg1: i32, %arg2: memref<10240x64xf32, #tpu.memory_space<hbm>>, %arg3: memref<32x80x125xi32, #tpu.memory_space<hbm>>, %arg4: memref<32x80x125xi32, #tpu.memory_space<hbm>>, %arg5: memref<10240x64xf32, #tpu.memory_space<hbm>>, %arg6: memref<2x10240x64xf32, #tpu.memory_space<hbm>>, %arg7: memref<10240x64xf32, #tpu.memory_space<vmem_shared>>, %arg8: memref<!tpu.dma_semaphore, #tpu.memory_space<semaphore_mem>>, %arg9: memref<!tpu.dma_semaphore, #tpu.memory_space<semaphore_mem>>, %arg10: memref<!tpu.dma_semaphore, #tpu.memory_space<semaphore_mem>>, %arg11: memref<!tpu.dma_semaphore, #tpu.memory_space<semaphore_mem>>) attributes {dimension_semantics = [#tpu.dimension_semantics<core_parallel>, #tpu.dimension_semantics<subcore_parallel>], iteration_bounds = array<i64: 2, 16>, scalar_prefetch = 0 : i64, scratch_operands = 5 : i64, tpu.core_type = #tpu.core_type<sc_vector_subcore>, window_params = [{transform_indices = #map}, {transform_indices = #map1}, {transform_indices = #map1}, {transform_indices = #map}, {transform_indices = #map1}]} {
    %mul3A = arith.constant 16 : i32
    %mul3A_0 = arith.muli %arg0, %mul3A : i32
    %add3A = arith.addi %mul3A_0, %arg1 : i32
    %mul3A_1 = arith.constant 640 : i32
    %mul3A_2 = arith.muli %arg1, %mul3A_1 : i32
    "tpu.region"() ({
      %run_scoped3A = memref.alloca() : memref<40x125xi32, #tpu.memory_space<vmem>>
      %run_scoped3A_3 = memref.alloca() : memref<40x125xi32, #tpu.memory_space<vmem>>
      %run_scoped3A_4 = memref.alloca() : memref<125x64xf32, #tpu.memory_space<vmem>>
      %run_scoped3A_5 = memref.alloca() : memref<125x64xf32, #tpu.memory_space<vmem>>
      "tpu.region"() ({
        %run_scoped3A_58 = tpu.sem_alloc : memref<!tpu.dma_semaphore, #tpu.memory_space<semaphore_mem>>
        %dma_start3A_59 = arith.constant 0 : i32
        %dma_start3A_60 = tpu.memref_slice %arg7[%mul3A_2, %dma_start3A_59] : memref<10240x64xf32, #tpu.memory_space<vmem_shared>> -> memref<640x64xf32, #tpu.memory_space<vmem_shared>>
        %dma_start3A_61 = arith.constant 0 : i32
        %dma_start3A_62 = tpu.memref_slice %arg5[%mul3A_2, %dma_start3A_61] : memref<10240x64xf32, #tpu.memory_space<hbm>> -> memref<640x64xf32, #tpu.memory_space<hbm>>
        tpu.enqueue_dma source(%dma_start3A_62 : memref<640x64xf32, #tpu.memory_space<hbm>>) target(%dma_start3A_60 : memref<640x64xf32, #tpu.memory_space<vmem_shared>>) target_semaphore(%run_scoped3A_58 : memref<!tpu.dma_semaphore, #tpu.memory_space<semaphore_mem>>)
        %dma_wait3A_63 = arith.constant 0 : i32
        %dma_wait3A_64 = tpu.memref_slice %arg7[%mul3A_2, %dma_wait3A_63] : memref<10240x64xf32, #tpu.memory_space<vmem_shared>> -> memref<640x64xf32, #tpu.memory_space<vmem_shared>>
        %dma_wait3A_65 = arith.constant 0 : i32
        %dma_wait3A_66 = tpu.memref_slice %arg5[%mul3A_2, %dma_wait3A_65] : memref<10240x64xf32, #tpu.memory_space<hbm>> -> memref<640x64xf32, #tpu.memory_space<hbm>>
        tpu.wait_dma2 semaphore(%run_scoped3A_58 : memref<!tpu.dma_semaphore, #tpu.memory_space<semaphore_mem>>) src(%dma_wait3A_66 : memref<640x64xf32, #tpu.memory_space<hbm>>) dst(%dma_wait3A_64 : memref<640x64xf32, #tpu.memory_space<vmem_shared>>)
        tpu.yield
      }) : () -> ()
      %barrier3A = arith.constant 0 : index
      tpu.barrier barrier_id(%barrier3A)
      "tpu.region"() ({
        %run_scoped3A_58 = tpu.sem_alloc : memref<!tpu.dma_semaphore, #tpu.memory_space<semaphore_mem>>
        %dma_start3A_59 = arith.constant 0 : i32
        %dma_start3A_60 = arith.constant 0 : i32
        %dma_start3A_61 = tpu.memref_slice %arg3[%add3A, %dma_start3A_59, %dma_start3A_60] : memref<32x80x125xi32, #tpu.memory_space<hbm>> -> memref<1x40x125xi32, #tpu.memory_space<hbm>>
        %dma_start3A_62 = tpu.memref_squeeze %dma_start3A_61 : memref<1x40x125xi32, #tpu.memory_space<hbm>> -> memref<40x125xi32, #tpu.memory_space<hbm>>
        %dma_start3A_63 = arith.constant 0 : i32
        %dma_start3A_64 = arith.constant 0 : i32
        %dma_start3A_65 = tpu.memref_slice %arg3[%add3A, %dma_start3A_63, %dma_start3A_64] : memref<32x80x125xi32, #tpu.memory_space<hbm>> -> memref<1x40x125xi32, #tpu.memory_space<hbm>>
        %dma_start3A_66 = tpu.memref_squeeze %dma_start3A_65 : memref<1x40x125xi32, #tpu.memory_space<hbm>> -> memref<40x125xi32, #tpu.memory_space<hbm>>
        tpu.enqueue_dma source(%dma_start3A_66 : memref<40x125xi32, #tpu.memory_space<hbm>>) target(%run_scoped3A : memref<40x125xi32, #tpu.memory_space<vmem>>) target_semaphore(%run_scoped3A_58 : memref<!tpu.dma_semaphore, #tpu.memory_space<semaphore_mem>>)
        %dma_wait3A_67 = arith.constant 0 : i32
        %dma_wait3A_68 = arith.constant 0 : i32
        %dma_wait3A_69 = tpu.memref_slice %arg3[%add3A, %dma_wait3A_67, %dma_wait3A_68] : memref<32x80x125xi32, #tpu.memory_space<hbm>> -> memref<1x40x125xi32, #tpu.memory_space<hbm>>
        %dma_wait3A_70 = tpu.memref_squeeze %dma_wait3A_69 : memref<1x40x125xi32, #tpu.memory_space<hbm>> -> memref<40x125xi32, #tpu.memory_space<hbm>>
        %dma_wait3A_71 = arith.constant 0 : i32
        %dma_wait3A_72 = arith.constant 0 : i32
        %dma_wait3A_73 = tpu.memref_slice %arg3[%add3A, %dma_wait3A_71, %dma_wait3A_72] : memref<32x80x125xi32, #tpu.memory_space<hbm>> -> memref<1x40x125xi32, #tpu.memory_space<hbm>>
        %dma_wait3A_74 = tpu.memref_squeeze %dma_wait3A_73 : memref<1x40x125xi32, #tpu.memory_space<hbm>> -> memref<40x125xi32, #tpu.memory_space<hbm>>
        tpu.wait_dma2 semaphore(%run_scoped3A_58 : memref<!tpu.dma_semaphore, #tpu.memory_space<semaphore_mem>>) src(%dma_wait3A_74 : memref<40x125xi32, #tpu.memory_space<hbm>>) dst(%run_scoped3A : memref<40x125xi32, #tpu.memory_space<vmem>>)
        tpu.yield
      }) : () -> ()
      "tpu.region"() ({
        %run_scoped3A_58 = tpu.sem_alloc : memref<!tpu.dma_semaphore, #tpu.memory_space<semaphore_mem>>
        %dma_start3A_59 = arith.constant 0 : i32
        %dma_start3A_60 = arith.constant 0 : i32
        %dma_start3A_61 = tpu.memref_slice %arg4[%add3A, %dma_start3A_59, %dma_start3A_60] : memref<32x80x125xi32, #tpu.memory_space<hbm>> -> memref<1x40x125xi32, #tpu.memory_space<hbm>>
        %dma_start3A_62 = tpu.memref_squeeze %dma_start3A_61 : memref<1x40x125xi32, #tpu.memory_space<hbm>> -> memref<40x125xi32, #tpu.memory_space<hbm>>
        %dma_start3A_63 = arith.constant 0 : i32
        %dma_start3A_64 = arith.constant 0 : i32
        %dma_start3A_65 = tpu.memref_slice %arg4[%add3A, %dma_start3A_63, %dma_start3A_64] : memref<32x80x125xi32, #tpu.memory_space<hbm>> -> memref<1x40x125xi32, #tpu.memory_space<hbm>>
        %dma_start3A_66 = tpu.memref_squeeze %dma_start3A_65 : memref<1x40x125xi32, #tpu.memory_space<hbm>> -> memref<40x125xi32, #tpu.memory_space<hbm>>
        tpu.enqueue_dma source(%dma_start3A_66 : memref<40x125xi32, #tpu.memory_space<hbm>>) target(%run_scoped3A_3 : memref<40x125xi32, #tpu.memory_space<vmem>>) target_semaphore(%run_scoped3A_58 : memref<!tpu.dma_semaphore, #tpu.memory_space<semaphore_mem>>)
        %dma_wait3A_67 = arith.constant 0 : i32
        %dma_wait3A_68 = arith.constant 0 : i32
        %dma_wait3A_69 = tpu.memref_slice %arg4[%add3A, %dma_wait3A_67, %dma_wait3A_68] : memref<32x80x125xi32, #tpu.memory_space<hbm>> -> memref<1x40x125xi32, #tpu.memory_space<hbm>>
        %dma_wait3A_70 = tpu.memref_squeeze %dma_wait3A_69 : memref<1x40x125xi32, #tpu.memory_space<hbm>> -> memref<40x125xi32, #tpu.memory_space<hbm>>
        %dma_wait3A_71 = arith.constant 0 : i32
        %dma_wait3A_72 = arith.constant 0 : i32
        %dma_wait3A_73 = tpu.memref_slice %arg4[%add3A, %dma_wait3A_71, %dma_wait3A_72] : memref<32x80x125xi32, #tpu.memory_space<hbm>> -> memref<1x40x125xi32, #tpu.memory_space<hbm>>
        %dma_wait3A_74 = tpu.memref_squeeze %dma_wait3A_73 : memref<1x40x125xi32, #tpu.memory_space<hbm>> -> memref<40x125xi32, #tpu.memory_space<hbm>>
        tpu.wait_dma2 semaphore(%run_scoped3A_58 : memref<!tpu.dma_semaphore, #tpu.memory_space<semaphore_mem>>) src(%dma_wait3A_74 : memref<40x125xi32, #tpu.memory_space<hbm>>) dst(%run_scoped3A_3 : memref<40x125xi32, #tpu.memory_space<vmem>>)
        tpu.yield
      }) : () -> ()
      %dma_start3A = arith.constant 0 : i32
      %dma_start3A_6 = arith.constant 0 : i32
      %dma_start3A_7 = tpu.memref_slice %run_scoped3A[%dma_start3A, %dma_start3A_6] : memref<40x125xi32, #tpu.memory_space<vmem>> -> memref<1x125xi32, #tpu.memory_space<vmem>>
      %dma_start3A_8 = tpu.memref_squeeze %dma_start3A_7 : memref<1x125xi32, #tpu.memory_space<vmem>> -> memref<125xi32, #tpu.memory_space<vmem>>
      %dma_start3A_9 = arith.constant 0 : i32
      %dma_start3A_10 = arith.constant 0 : i32
      %dma_start3A_11 = tpu.memref_slice %arg2[%dma_start3A_9, %dma_start3A_10] : memref<10240x64xf32, #tpu.memory_space<hbm>> -> memref<10240x64xf32, #tpu.memory_space<hbm>>
      tpu.enqueue_indirect_dma source(%dma_start3A_11 : memref<10240x64xf32, #tpu.memory_space<hbm>>) target(%run_scoped3A_4 : memref<125x64xf32, #tpu.memory_space<vmem>>) offsets(%dma_start3A_8 : memref<125xi32, #tpu.memory_space<vmem>>) semaphore(%arg8 : memref<!tpu.dma_semaphore, #tpu.memory_space<semaphore_mem>>)
      %scan3A = arith.constant 0 : i32
      %scan3A_12 = arith.constant 0 : i32
      %scan3A_13 = arith.constant 20 : i32
      %scan3A_14 = arith.addi %scan3A_12, %scan3A_13 : i32
      %scan3A_15 = arith.constant 1 : i32
      scf.for %scan3A_58 = %scan3A_12 to %scan3A_14 step %scan3A_15  : i32 {
        %mul3A_59 = arith.constant 2 : i32
        %mul3A_60 = arith.muli %mul3A_59, %scan3A_58 : i32
        %gt3A = arith.constant 0 : i32
        %gt3A_61 = arith.cmpi sgt, %scan3A_58, %gt3A : i32
        %convert_element_type3A = arith.extui %gt3A_61 : i1 to i32
        %cond3A = arith.constant 0 : i32
        %cond3A_62 = arith.cmpi ne, %convert_element_type3A, %cond3A : i32
        scf.if %cond3A_62 {
          %sub3A = arith.constant 1 : i32
          %sub3A_103 = arith.subi %mul3A_60, %sub3A : i32
          %dma_wait3A_104 = arith.constant 0 : i32
          %dma_wait3A_105 = tpu.memref_slice %run_scoped3A_3[%sub3A_103, %dma_wait3A_104] : memref<40x125xi32, #tpu.memory_space<vmem>> -> memref<1x125xi32, #tpu.memory_space<vmem>>
          %dma_wait3A_106 = tpu.memref_squeeze %dma_wait3A_105 : memref<1x125xi32, #tpu.memory_space<vmem>> -> memref<125xi32, #tpu.memory_space<vmem>>
          %dma_wait3A_107 = arith.constant 0 : i32
          %dma_wait3A_108 = arith.constant 0 : i32
          %dma_wait3A_109 = tpu.memref_slice %arg7[%dma_wait3A_107, %dma_wait3A_108] : memref<10240x64xf32, #tpu.memory_space<vmem_shared>> -> memref<10240x64xf32, #tpu.memory_space<vmem_shared>>
          tpu.wait_indirect_dma semaphore(%arg11 : memref<!tpu.dma_semaphore, #tpu.memory_space<semaphore_mem>>) src(%run_scoped3A_5 : memref<125x64xf32, #tpu.memory_space<vmem>>) dst(%dma_wait3A_109 : memref<10240x64xf32, #tpu.memory_space<vmem_shared>>)
        } else {
        }
        %add3A_63 = arith.constant 1 : i32
        %add3A_64 = arith.addi %mul3A_60, %add3A_63 : i32
        %dma_start3A_65 = arith.constant 0 : i32
        %dma_start3A_66 = tpu.memref_slice %run_scoped3A[%add3A_64, %dma_start3A_65] : memref<40x125xi32, #tpu.memory_space<vmem>> -> memref<1x125xi32, #tpu.memory_space<vmem>>
        %dma_start3A_67 = tpu.memref_squeeze %dma_start3A_66 : memref<1x125xi32, #tpu.memory_space<vmem>> -> memref<125xi32, #tpu.memory_space<vmem>>
        %dma_start3A_68 = arith.constant 0 : i32
        %dma_start3A_69 = arith.constant 0 : i32
        %dma_start3A_70 = tpu.memref_slice %arg2[%dma_start3A_68, %dma_start3A_69] : memref<10240x64xf32, #tpu.memory_space<hbm>> -> memref<10240x64xf32, #tpu.memory_space<hbm>>
        tpu.enqueue_indirect_dma source(%dma_start3A_70 : memref<10240x64xf32, #tpu.memory_space<hbm>>) target(%run_scoped3A_5 : memref<125x64xf32, #tpu.memory_space<vmem>>) offsets(%dma_start3A_67 : memref<125xi32, #tpu.memory_space<vmem>>) semaphore(%arg9 : memref<!tpu.dma_semaphore, #tpu.memory_space<semaphore_mem>>)
        %dma_wait3A_71 = arith.constant 0 : i32
        %dma_wait3A_72 = tpu.memref_slice %run_scoped3A[%mul3A_60, %dma_wait3A_71] : memref<40x125xi32, #tpu.memory_space<vmem>> -> memref<1x125xi32, #tpu.memory_space<vmem>>
        %dma_wait3A_73 = tpu.memref_squeeze %dma_wait3A_72 : memref<1x125xi32, #tpu.memory_space<vmem>> -> memref<125xi32, #tpu.memory_space<vmem>>
        %dma_wait3A_74 = arith.constant 0 : i32
        %dma_wait3A_75 = arith.constant 0 : i32
        %dma_wait3A_76 = tpu.memref_slice %arg2[%dma_wait3A_74, %dma_wait3A_75] : memref<10240x64xf32, #tpu.memory_space<hbm>> -> memref<10240x64xf32, #tpu.memory_space<hbm>>
        tpu.wait_indirect_dma semaphore(%arg8 : memref<!tpu.dma_semaphore, #tpu.memory_space<semaphore_mem>>) src(%dma_wait3A_76 : memref<10240x64xf32, #tpu.memory_space<hbm>>) dst(%run_scoped3A_4 : memref<125x64xf32, #tpu.memory_space<vmem>>)
        %dma_start3A_77 = arith.constant 0 : i32
        %dma_start3A_78 = tpu.memref_slice %run_scoped3A_3[%mul3A_60, %dma_start3A_77] : memref<40x125xi32, #tpu.memory_space<vmem>> -> memref<1x125xi32, #tpu.memory_space<vmem>>
        %dma_start3A_79 = tpu.memref_squeeze %dma_start3A_78 : memref<1x125xi32, #tpu.memory_space<vmem>> -> memref<125xi32, #tpu.memory_space<vmem>>
        %dma_start3A_80 = arith.constant 0 : i32
        %dma_start3A_81 = arith.constant 0 : i32
        %dma_start3A_82 = tpu.memref_slice %arg7[%dma_start3A_80, %dma_start3A_81] : memref<10240x64xf32, #tpu.memory_space<vmem_shared>> -> memref<10240x64xf32, #tpu.memory_space<vmem_shared>>
        tpu.enqueue_indirect_dma source(%run_scoped3A_4 : memref<125x64xf32, #tpu.memory_space<vmem>>) target(%dma_start3A_82 : memref<10240x64xf32, #tpu.memory_space<vmem_shared>>) offsets(%dma_start3A_79 : memref<125xi32, #tpu.memory_space<vmem>>) semaphore(%arg10 : memref<!tpu.dma_semaphore, #tpu.memory_space<semaphore_mem>>) {add = true}
        %lt3A = arith.constant 19 : i32
        %lt3A_83 = arith.cmpi slt, %scan3A_58, %lt3A : i32
        %convert_element_type3A_84 = arith.extui %lt3A_83 : i1 to i32
        %cond3A_85 = arith.constant 0 : i32
        %cond3A_86 = arith.cmpi ne, %convert_element_type3A_84, %cond3A_85 : i32
        scf.if %cond3A_86 {
          %dma_wait3A_103 = arith.constant 0 : i32
          %dma_wait3A_104 = tpu.memref_slice %run_scoped3A_3[%mul3A_60, %dma_wait3A_103] : memref<40x125xi32, #tpu.memory_space<vmem>> -> memref<1x125xi32, #tpu.memory_space<vmem>>
          %dma_wait3A_105 = tpu.memref_squeeze %dma_wait3A_104 : memref<1x125xi32, #tpu.memory_space<vmem>> -> memref<125xi32, #tpu.memory_space<vmem>>
          %dma_wait3A_106 = arith.constant 0 : i32
          %dma_wait3A_107 = arith.constant 0 : i32
          %dma_wait3A_108 = tpu.memref_slice %arg7[%dma_wait3A_106, %dma_wait3A_107] : memref<10240x64xf32, #tpu.memory_space<vmem_shared>> -> memref<10240x64xf32, #tpu.memory_space<vmem_shared>>
          tpu.wait_indirect_dma semaphore(%arg10 : memref<!tpu.dma_semaphore, #tpu.memory_space<semaphore_mem>>) src(%run_scoped3A_4 : memref<125x64xf32, #tpu.memory_space<vmem>>) dst(%dma_wait3A_108 : memref<10240x64xf32, #tpu.memory_space<vmem_shared>>)
          %add3A_109 = arith.constant 2 : i32
          %add3A_110 = arith.addi %mul3A_60, %add3A_109 : i32
          %dma_start3A_111 = arith.constant 0 : i32
          %dma_start3A_112 = tpu.memref_slice %run_scoped3A[%add3A_110, %dma_start3A_111] : memref<40x125xi32, #tpu.memory_space<vmem>> -> memref<1x125xi32, #tpu.memory_space<vmem>>
          %dma_start3A_113 = tpu.memref_squeeze %dma_start3A_112 : memref<1x125xi32, #tpu.memory_space<vmem>> -> memref<125xi32, #tpu.memory_space<vmem>>
          %dma_start3A_114 = arith.constant 0 : i32
          %dma_start3A_115 = arith.constant 0 : i32
          %dma_start3A_116 = tpu.memref_slice %arg2[%dma_start3A_114, %dma_start3A_115] : memref<10240x64xf32, #tpu.memory_space<hbm>> -> memref<10240x64xf32, #tpu.memory_space<hbm>>
          tpu.enqueue_indirect_dma source(%dma_start3A_116 : memref<10240x64xf32, #tpu.memory_space<hbm>>) target(%run_scoped3A_4 : memref<125x64xf32, #tpu.memory_space<vmem>>) offsets(%dma_start3A_113 : memref<125xi32, #tpu.memory_space<vmem>>) semaphore(%arg8 : memref<!tpu.dma_semaphore, #tpu.memory_space<semaphore_mem>>)
        } else {
        }
        %add3A_87 = arith.constant 1 : i32
        %add3A_88 = arith.addi %mul3A_60, %add3A_87 : i32
        %dma_wait3A_89 = arith.constant 0 : i32
        %dma_wait3A_90 = tpu.memref_slice %run_scoped3A[%add3A_88, %dma_wait3A_89] : memref<40x125xi32, #tpu.memory_space<vmem>> -> memref<1x125xi32, #tpu.memory_space<vmem>>
        %dma_wait3A_91 = tpu.memref_squeeze %dma_wait3A_90 : memref<1x125xi32, #tpu.memory_space<vmem>> -> memref<125xi32, #tpu.memory_space<vmem>>
        %dma_wait3A_92 = arith.constant 0 : i32
        %dma_wait3A_93 = arith.constant 0 : i32
        %dma_wait3A_94 = tpu.memref_slice %arg2[%dma_wait3A_92, %dma_wait3A_93] : memref<10240x64xf32, #tpu.memory_space<hbm>> -> memref<10240x64xf32, #tpu.memory_space<hbm>>
        tpu.wait_indirect_dma semaphore(%arg9 : memref<!tpu.dma_semaphore, #tpu.memory_space<semaphore_mem>>) src(%dma_wait3A_94 : memref<10240x64xf32, #tpu.memory_space<hbm>>) dst(%run_scoped3A_5 : memref<125x64xf32, #tpu.memory_space<vmem>>)
        %add3A_95 = arith.constant 1 : i32
        %add3A_96 = arith.addi %mul3A_60, %add3A_95 : i32
        %dma_start3A_97 = arith.constant 0 : i32
        %dma_start3A_98 = tpu.memref_slice %run_scoped3A_3[%add3A_96, %dma_start3A_97] : memref<40x125xi32, #tpu.memory_space<vmem>> -> memref<1x125xi32, #tpu.memory_space<vmem>>
        %dma_start3A_99 = tpu.memref_squeeze %dma_start3A_98 : memref<1x125xi32, #tpu.memory_space<vmem>> -> memref<125xi32, #tpu.memory_space<vmem>>
        %dma_start3A_100 = arith.constant 0 : i32
        %dma_start3A_101 = arith.constant 0 : i32
        %dma_start3A_102 = tpu.memref_slice %arg7[%dma_start3A_100, %dma_start3A_101] : memref<10240x64xf32, #tpu.memory_space<vmem_shared>> -> memref<10240x64xf32, #tpu.memory_space<vmem_shared>>
        tpu.enqueue_indirect_dma source(%run_scoped3A_5 : memref<125x64xf32, #tpu.memory_space<vmem>>) target(%dma_start3A_102 : memref<10240x64xf32, #tpu.memory_space<vmem_shared>>) offsets(%dma_start3A_99 : memref<125xi32, #tpu.memory_space<vmem>>) semaphore(%arg11 : memref<!tpu.dma_semaphore, #tpu.memory_space<semaphore_mem>>) {add = true}
      }
      %scan3A_16 = arith.constant 20 : i32
      %dma_wait3A = arith.constant 38 : i32
      %dma_wait3A_17 = arith.constant 0 : i32
      %dma_wait3A_18 = tpu.memref_slice %run_scoped3A_3[%dma_wait3A, %dma_wait3A_17] : memref<40x125xi32, #tpu.memory_space<vmem>> -> memref<1x125xi32, #tpu.memory_space<vmem>>
      %dma_wait3A_19 = tpu.memref_squeeze %dma_wait3A_18 : memref<1x125xi32, #tpu.memory_space<vmem>> -> memref<125xi32, #tpu.memory_space<vmem>>
      %dma_wait3A_20 = arith.constant 0 : i32
      %dma_wait3A_21 = arith.constant 0 : i32
      %dma_wait3A_22 = tpu.memref_slice %arg7[%dma_wait3A_20, %dma_wait3A_21] : memref<10240x64xf32, #tpu.memory_space<vmem_shared>> -> memref<10240x64xf32, #tpu.memory_space<vmem_shared>>
      tpu.wait_indirect_dma semaphore(%arg10 : memref<!tpu.dma_semaphore, #tpu.memory_space<semaphore_mem>>) src(%run_scoped3A_4 : memref<125x64xf32, #tpu.memory_space<vmem>>) dst(%dma_wait3A_22 : memref<10240x64xf32, #tpu.memory_space<vmem_shared>>)
      %dma_wait3A_23 = arith.constant 39 : i32
      %dma_wait3A_24 = arith.constant 0 : i32
      %dma_wait3A_25 = tpu.memref_slice %run_scoped3A_3[%dma_wait3A_23, %dma_wait3A_24] : memref<40x125xi32, #tpu.memory_space<vmem>> -> memref<1x125xi32, #tpu.memory_space<vmem>>
      %dma_wait3A_26 = tpu.memref_squeeze %dma_wait3A_25 : memref<1x125xi32, #tpu.memory_space<vmem>> -> memref<125xi32, #tpu.memory_space<vmem>>
      %dma_wait3A_27 = arith.constant 0 : i32
      %dma_wait3A_28 = arith.constant 0 : i32
      %dma_wait3A_29 = tpu.memref_slice %arg7[%dma_wait3A_27, %dma_wait3A_28] : memref<10240x64xf32, #tpu.memory_space<vmem_shared>> -> memref<10240x64xf32, #tpu.memory_space<vmem_shared>>
      tpu.wait_indirect_dma semaphore(%arg11 : memref<!tpu.dma_semaphore, #tpu.memory_space<semaphore_mem>>) src(%run_scoped3A_5 : memref<125x64xf32, #tpu.memory_space<vmem>>) dst(%dma_wait3A_29 : memref<10240x64xf32, #tpu.memory_space<vmem_shared>>)
      "tpu.region"() ({
        %run_scoped3A_58 = tpu.sem_alloc : memref<!tpu.dma_semaphore, #tpu.memory_space<semaphore_mem>>
        %dma_start3A_59 = arith.constant 40 : i32
        %dma_start3A_60 = arith.constant 0 : i32
        %dma_start3A_61 = tpu.memref_slice %arg3[%add3A, %dma_start3A_59, %dma_start3A_60] : memref<32x80x125xi32, #tpu.memory_space<hbm>> -> memref<1x40x125xi32, #tpu.memory_space<hbm>>
        %dma_start3A_62 = tpu.memref_squeeze %dma_start3A_61 : memref<1x40x125xi32, #tpu.memory_space<hbm>> -> memref<40x125xi32, #tpu.memory_space<hbm>>
        %dma_start3A_63 = arith.constant 40 : i32
        %dma_start3A_64 = arith.constant 0 : i32
        %dma_start3A_65 = tpu.memref_slice %arg3[%add3A, %dma_start3A_63, %dma_start3A_64] : memref<32x80x125xi32, #tpu.memory_space<hbm>> -> memref<1x40x125xi32, #tpu.memory_space<hbm>>
        %dma_start3A_66 = tpu.memref_squeeze %dma_start3A_65 : memref<1x40x125xi32, #tpu.memory_space<hbm>> -> memref<40x125xi32, #tpu.memory_space<hbm>>
        tpu.enqueue_dma source(%dma_start3A_66 : memref<40x125xi32, #tpu.memory_space<hbm>>) target(%run_scoped3A : memref<40x125xi32, #tpu.memory_space<vmem>>) target_semaphore(%run_scoped3A_58 : memref<!tpu.dma_semaphore, #tpu.memory_space<semaphore_mem>>)
        %dma_wait3A_67 = arith.constant 40 : i32
        %dma_wait3A_68 = arith.constant 0 : i32
        %dma_wait3A_69 = tpu.memref_slice %arg3[%add3A, %dma_wait3A_67, %dma_wait3A_68] : memref<32x80x125xi32, #tpu.memory_space<hbm>> -> memref<1x40x125xi32, #tpu.memory_space<hbm>>
        %dma_wait3A_70 = tpu.memref_squeeze %dma_wait3A_69 : memref<1x40x125xi32, #tpu.memory_space<hbm>> -> memref<40x125xi32, #tpu.memory_space<hbm>>
        %dma_wait3A_71 = arith.constant 40 : i32
        %dma_wait3A_72 = arith.constant 0 : i32
        %dma_wait3A_73 = tpu.memref_slice %arg3[%add3A, %dma_wait3A_71, %dma_wait3A_72] : memref<32x80x125xi32, #tpu.memory_space<hbm>> -> memref<1x40x125xi32, #tpu.memory_space<hbm>>
        %dma_wait3A_74 = tpu.memref_squeeze %dma_wait3A_73 : memref<1x40x125xi32, #tpu.memory_space<hbm>> -> memref<40x125xi32, #tpu.memory_space<hbm>>
        tpu.wait_dma2 semaphore(%run_scoped3A_58 : memref<!tpu.dma_semaphore, #tpu.memory_space<semaphore_mem>>) src(%dma_wait3A_74 : memref<40x125xi32, #tpu.memory_space<hbm>>) dst(%run_scoped3A : memref<40x125xi32, #tpu.memory_space<vmem>>)
        tpu.yield
      }) : () -> ()
      "tpu.region"() ({
        %run_scoped3A_58 = tpu.sem_alloc : memref<!tpu.dma_semaphore, #tpu.memory_space<semaphore_mem>>
        %dma_start3A_59 = arith.constant 40 : i32
        %dma_start3A_60 = arith.constant 0 : i32
        %dma_start3A_61 = tpu.memref_slice %arg4[%add3A, %dma_start3A_59, %dma_start3A_60] : memref<32x80x125xi32, #tpu.memory_space<hbm>> -> memref<1x40x125xi32, #tpu.memory_space<hbm>>
        %dma_start3A_62 = tpu.memref_squeeze %dma_start3A_61 : memref<1x40x125xi32, #tpu.memory_space<hbm>> -> memref<40x125xi32, #tpu.memory_space<hbm>>
        %dma_start3A_63 = arith.constant 40 : i32
        %dma_start3A_64 = arith.constant 0 : i32
        %dma_start3A_65 = tpu.memref_slice %arg4[%add3A, %dma_start3A_63, %dma_start3A_64] : memref<32x80x125xi32, #tpu.memory_space<hbm>> -> memref<1x40x125xi32, #tpu.memory_space<hbm>>
        %dma_start3A_66 = tpu.memref_squeeze %dma_start3A_65 : memref<1x40x125xi32, #tpu.memory_space<hbm>> -> memref<40x125xi32, #tpu.memory_space<hbm>>
        tpu.enqueue_dma source(%dma_start3A_66 : memref<40x125xi32, #tpu.memory_space<hbm>>) target(%run_scoped3A_3 : memref<40x125xi32, #tpu.memory_space<vmem>>) target_semaphore(%run_scoped3A_58 : memref<!tpu.dma_semaphore, #tpu.memory_space<semaphore_mem>>)
        %dma_wait3A_67 = arith.constant 40 : i32
        %dma_wait3A_68 = arith.constant 0 : i32
        %dma_wait3A_69 = tpu.memref_slice %arg4[%add3A, %dma_wait3A_67, %dma_wait3A_68] : memref<32x80x125xi32, #tpu.memory_space<hbm>> -> memref<1x40x125xi32, #tpu.memory_space<hbm>>
        %dma_wait3A_70 = tpu.memref_squeeze %dma_wait3A_69 : memref<1x40x125xi32, #tpu.memory_space<hbm>> -> memref<40x125xi32, #tpu.memory_space<hbm>>
        %dma_wait3A_71 = arith.constant 40 : i32
        %dma_wait3A_72 = arith.constant 0 : i32
        %dma_wait3A_73 = tpu.memref_slice %arg4[%add3A, %dma_wait3A_71, %dma_wait3A_72] : memref<32x80x125xi32, #tpu.memory_space<hbm>> -> memref<1x40x125xi32, #tpu.memory_space<hbm>>
        %dma_wait3A_74 = tpu.memref_squeeze %dma_wait3A_73 : memref<1x40x125xi32, #tpu.memory_space<hbm>> -> memref<40x125xi32, #tpu.memory_space<hbm>>
        tpu.wait_dma2 semaphore(%run_scoped3A_58 : memref<!tpu.dma_semaphore, #tpu.memory_space<semaphore_mem>>) src(%dma_wait3A_74 : memref<40x125xi32, #tpu.memory_space<hbm>>) dst(%run_scoped3A_3 : memref<40x125xi32, #tpu.memory_space<vmem>>)
        tpu.yield
      }) : () -> ()
      %dma_start3A_30 = arith.constant 0 : i32
      %dma_start3A_31 = arith.constant 0 : i32
      %dma_start3A_32 = tpu.memref_slice %run_scoped3A[%dma_start3A_30, %dma_start3A_31] : memref<40x125xi32, #tpu.memory_space<vmem>> -> memref<1x125xi32, #tpu.memory_space<vmem>>
      %dma_start3A_33 = tpu.memref_squeeze %dma_start3A_32 : memref<1x125xi32, #tpu.memory_space<vmem>> -> memref<125xi32, #tpu.memory_space<vmem>>
      %dma_start3A_34 = arith.constant 0 : i32
      %dma_start3A_35 = arith.constant 0 : i32
      %dma_start3A_36 = tpu.memref_slice %arg2[%dma_start3A_34, %dma_start3A_35] : memref<10240x64xf32, #tpu.memory_space<hbm>> -> memref<10240x64xf32, #tpu.memory_space<hbm>>
      tpu.enqueue_indirect_dma source(%dma_start3A_36 : memref<10240x64xf32, #tpu.memory_space<hbm>>) target(%run_scoped3A_4 : memref<125x64xf32, #tpu.memory_space<vmem>>) offsets(%dma_start3A_33 : memref<125xi32, #tpu.memory_space<vmem>>) semaphore(%arg8 : memref<!tpu.dma_semaphore, #tpu.memory_space<semaphore_mem>>)
      %scan3A_37 = arith.constant 0 : i32
      %scan3A_38 = arith.constant 0 : i32
      %scan3A_39 = arith.constant 20 : i32
      %scan3A_40 = arith.addi %scan3A_38, %scan3A_39 : i32
      %scan3A_41 = arith.constant 1 : i32
      scf.for %scan3A_58 = %scan3A_38 to %scan3A_40 step %scan3A_41  : i32 {
        %mul3A_59 = arith.constant 2 : i32
        %mul3A_60 = arith.muli %mul3A_59, %scan3A_58 : i32
        %gt3A = arith.constant 0 : i32
        %gt3A_61 = arith.cmpi sgt, %scan3A_58, %gt3A : i32
        %convert_element_type3A = arith.extui %gt3A_61 : i1 to i32
        %cond3A = arith.constant 0 : i32
        %cond3A_62 = arith.cmpi ne, %convert_element_type3A, %cond3A : i32
        scf.if %cond3A_62 {
          %sub3A = arith.constant 1 : i32
          %sub3A_103 = arith.subi %mul3A_60, %sub3A : i32
          %dma_wait3A_104 = arith.constant 0 : i32
          %dma_wait3A_105 = tpu.memref_slice %run_scoped3A_3[%sub3A_103, %dma_wait3A_104] : memref<40x125xi32, #tpu.memory_space<vmem>> -> memref<1x125xi32, #tpu.memory_space<vmem>>
          %dma_wait3A_106 = tpu.memref_squeeze %dma_wait3A_105 : memref<1x125xi32, #tpu.memory_space<vmem>> -> memref<125xi32, #tpu.memory_space<vmem>>
          %dma_wait3A_107 = arith.constant 0 : i32
          %dma_wait3A_108 = arith.constant 0 : i32
          %dma_wait3A_109 = tpu.memref_slice %arg7[%dma_wait3A_107, %dma_wait3A_108] : memref<10240x64xf32, #tpu.memory_space<vmem_shared>> -> memref<10240x64xf32, #tpu.memory_space<vmem_shared>>
          tpu.wait_indirect_dma semaphore(%arg11 : memref<!tpu.dma_semaphore, #tpu.memory_space<semaphore_mem>>) src(%run_scoped3A_5 : memref<125x64xf32, #tpu.memory_space<vmem>>) dst(%dma_wait3A_109 : memref<10240x64xf32, #tpu.memory_space<vmem_shared>>)
        } else {
        }
        %add3A_63 = arith.constant 1 : i32
        %add3A_64 = arith.addi %mul3A_60, %add3A_63 : i32
        %dma_start3A_65 = arith.constant 0 : i32
        %dma_start3A_66 = tpu.memref_slice %run_scoped3A[%add3A_64, %dma_start3A_65] : memref<40x125xi32, #tpu.memory_space<vmem>> -> memref<1x125xi32, #tpu.memory_space<vmem>>
        %dma_start3A_67 = tpu.memref_squeeze %dma_start3A_66 : memref<1x125xi32, #tpu.memory_space<vmem>> -> memref<125xi32, #tpu.memory_space<vmem>>
        %dma_start3A_68 = arith.constant 0 : i32
        %dma_start3A_69 = arith.constant 0 : i32
        %dma_start3A_70 = tpu.memref_slice %arg2[%dma_start3A_68, %dma_start3A_69] : memref<10240x64xf32, #tpu.memory_space<hbm>> -> memref<10240x64xf32, #tpu.memory_space<hbm>>
        tpu.enqueue_indirect_dma source(%dma_start3A_70 : memref<10240x64xf32, #tpu.memory_space<hbm>>) target(%run_scoped3A_5 : memref<125x64xf32, #tpu.memory_space<vmem>>) offsets(%dma_start3A_67 : memref<125xi32, #tpu.memory_space<vmem>>) semaphore(%arg9 : memref<!tpu.dma_semaphore, #tpu.memory_space<semaphore_mem>>)
        %dma_wait3A_71 = arith.constant 0 : i32
        %dma_wait3A_72 = tpu.memref_slice %run_scoped3A[%mul3A_60, %dma_wait3A_71] : memref<40x125xi32, #tpu.memory_space<vmem>> -> memref<1x125xi32, #tpu.memory_space<vmem>>
        %dma_wait3A_73 = tpu.memref_squeeze %dma_wait3A_72 : memref<1x125xi32, #tpu.memory_space<vmem>> -> memref<125xi32, #tpu.memory_space<vmem>>
        %dma_wait3A_74 = arith.constant 0 : i32
        %dma_wait3A_75 = arith.constant 0 : i32
        %dma_wait3A_76 = tpu.memref_slice %arg2[%dma_wait3A_74, %dma_wait3A_75] : memref<10240x64xf32, #tpu.memory_space<hbm>> -> memref<10240x64xf32, #tpu.memory_space<hbm>>
        tpu.wait_indirect_dma semaphore(%arg8 : memref<!tpu.dma_semaphore, #tpu.memory_space<semaphore_mem>>) src(%dma_wait3A_76 : memref<10240x64xf32, #tpu.memory_space<hbm>>) dst(%run_scoped3A_4 : memref<125x64xf32, #tpu.memory_space<vmem>>)
        %dma_start3A_77 = arith.constant 0 : i32
        %dma_start3A_78 = tpu.memref_slice %run_scoped3A_3[%mul3A_60, %dma_start3A_77] : memref<40x125xi32, #tpu.memory_space<vmem>> -> memref<1x125xi32, #tpu.memory_space<vmem>>
        %dma_start3A_79 = tpu.memref_squeeze %dma_start3A_78 : memref<1x125xi32, #tpu.memory_space<vmem>> -> memref<125xi32, #tpu.memory_space<vmem>>
        %dma_start3A_80 = arith.constant 0 : i32
        %dma_start3A_81 = arith.constant 0 : i32
        %dma_start3A_82 = tpu.memref_slice %arg7[%dma_start3A_80, %dma_start3A_81] : memref<10240x64xf32, #tpu.memory_space<vmem_shared>> -> memref<10240x64xf32, #tpu.memory_space<vmem_shared>>
        tpu.enqueue_indirect_dma source(%run_scoped3A_4 : memref<125x64xf32, #tpu.memory_space<vmem>>) target(%dma_start3A_82 : memref<10240x64xf32, #tpu.memory_space<vmem_shared>>) offsets(%dma_start3A_79 : memref<125xi32, #tpu.memory_space<vmem>>) semaphore(%arg10 : memref<!tpu.dma_semaphore, #tpu.memory_space<semaphore_mem>>) {add = true}
        %lt3A = arith.constant 19 : i32
        %lt3A_83 = arith.cmpi slt, %scan3A_58, %lt3A : i32
        %convert_element_type3A_84 = arith.extui %lt3A_83 : i1 to i32
        %cond3A_85 = arith.constant 0 : i32
        %cond3A_86 = arith.cmpi ne, %convert_element_type3A_84, %cond3A_85 : i32
        scf.if %cond3A_86 {
          %dma_wait3A_103 = arith.constant 0 : i32
          %dma_wait3A_104 = tpu.memref_slice %run_scoped3A_3[%mul3A_60, %dma_wait3A_103] : memref<40x125xi32, #tpu.memory_space<vmem>> -> memref<1x125xi32, #tpu.memory_space<vmem>>
          %dma_wait3A_105 = tpu.memref_squeeze %dma_wait3A_104 : memref<1x125xi32, #tpu.memory_space<vmem>> -> memref<125xi32, #tpu.memory_space<vmem>>
          %dma_wait3A_106 = arith.constant 0 : i32
          %dma_wait3A_107 = arith.constant 0 : i32
          %dma_wait3A_108 = tpu.memref_slice %arg7[%dma_wait3A_106, %dma_wait3A_107] : memref<10240x64xf32, #tpu.memory_space<vmem_shared>> -> memref<10240x64xf32, #tpu.memory_space<vmem_shared>>
          tpu.wait_indirect_dma semaphore(%arg10 : memref<!tpu.dma_semaphore, #tpu.memory_space<semaphore_mem>>) src(%run_scoped3A_4 : memref<125x64xf32, #tpu.memory_space<vmem>>) dst(%dma_wait3A_108 : memref<10240x64xf32, #tpu.memory_space<vmem_shared>>)
          %add3A_109 = arith.constant 2 : i32
          %add3A_110 = arith.addi %mul3A_60, %add3A_109 : i32
          %dma_start3A_111 = arith.constant 0 : i32
          %dma_start3A_112 = tpu.memref_slice %run_scoped3A[%add3A_110, %dma_start3A_111] : memref<40x125xi32, #tpu.memory_space<vmem>> -> memref<1x125xi32, #tpu.memory_space<vmem>>
          %dma_start3A_113 = tpu.memref_squeeze %dma_start3A_112 : memref<1x125xi32, #tpu.memory_space<vmem>> -> memref<125xi32, #tpu.memory_space<vmem>>
          %dma_start3A_114 = arith.constant 0 : i32
          %dma_start3A_115 = arith.constant 0 : i32
          %dma_start3A_116 = tpu.memref_slice %arg2[%dma_start3A_114, %dma_start3A_115] : memref<10240x64xf32, #tpu.memory_space<hbm>> -> memref<10240x64xf32, #tpu.memory_space<hbm>>
          tpu.enqueue_indirect_dma source(%dma_start3A_116 : memref<10240x64xf32, #tpu.memory_space<hbm>>) target(%run_scoped3A_4 : memref<125x64xf32, #tpu.memory_space<vmem>>) offsets(%dma_start3A_113 : memref<125xi32, #tpu.memory_space<vmem>>) semaphore(%arg8 : memref<!tpu.dma_semaphore, #tpu.memory_space<semaphore_mem>>)
        } else {
        }
        %add3A_87 = arith.constant 1 : i32
        %add3A_88 = arith.addi %mul3A_60, %add3A_87 : i32
        %dma_wait3A_89 = arith.constant 0 : i32
        %dma_wait3A_90 = tpu.memref_slice %run_scoped3A[%add3A_88, %dma_wait3A_89] : memref<40x125xi32, #tpu.memory_space<vmem>> -> memref<1x125xi32, #tpu.memory_space<vmem>>
        %dma_wait3A_91 = tpu.memref_squeeze %dma_wait3A_90 : memref<1x125xi32, #tpu.memory_space<vmem>> -> memref<125xi32, #tpu.memory_space<vmem>>
        %dma_wait3A_92 = arith.constant 0 : i32
        %dma_wait3A_93 = arith.constant 0 : i32
        %dma_wait3A_94 = tpu.memref_slice %arg2[%dma_wait3A_92, %dma_wait3A_93] : memref<10240x64xf32, #tpu.memory_space<hbm>> -> memref<10240x64xf32, #tpu.memory_space<hbm>>
        tpu.wait_indirect_dma semaphore(%arg9 : memref<!tpu.dma_semaphore, #tpu.memory_space<semaphore_mem>>) src(%dma_wait3A_94 : memref<10240x64xf32, #tpu.memory_space<hbm>>) dst(%run_scoped3A_5 : memref<125x64xf32, #tpu.memory_space<vmem>>)
        %add3A_95 = arith.constant 1 : i32
        %add3A_96 = arith.addi %mul3A_60, %add3A_95 : i32
        %dma_start3A_97 = arith.constant 0 : i32
        %dma_start3A_98 = tpu.memref_slice %run_scoped3A_3[%add3A_96, %dma_start3A_97] : memref<40x125xi32, #tpu.memory_space<vmem>> -> memref<1x125xi32, #tpu.memory_space<vmem>>
        %dma_start3A_99 = tpu.memref_squeeze %dma_start3A_98 : memref<1x125xi32, #tpu.memory_space<vmem>> -> memref<125xi32, #tpu.memory_space<vmem>>
        %dma_start3A_100 = arith.constant 0 : i32
        %dma_start3A_101 = arith.constant 0 : i32
        %dma_start3A_102 = tpu.memref_slice %arg7[%dma_start3A_100, %dma_start3A_101] : memref<10240x64xf32, #tpu.memory_space<vmem_shared>> -> memref<10240x64xf32, #tpu.memory_space<vmem_shared>>
        tpu.enqueue_indirect_dma source(%run_scoped3A_5 : memref<125x64xf32, #tpu.memory_space<vmem>>) target(%dma_start3A_102 : memref<10240x64xf32, #tpu.memory_space<vmem_shared>>) offsets(%dma_start3A_99 : memref<125xi32, #tpu.memory_space<vmem>>) semaphore(%arg11 : memref<!tpu.dma_semaphore, #tpu.memory_space<semaphore_mem>>) {add = true}
      }
      %scan3A_42 = arith.constant 20 : i32
      %dma_wait3A_43 = arith.constant 38 : i32
      %dma_wait3A_44 = arith.constant 0 : i32
      %dma_wait3A_45 = tpu.memref_slice %run_scoped3A_3[%dma_wait3A_43, %dma_wait3A_44] : memref<40x125xi32, #tpu.memory_space<vmem>> -> memref<1x125xi32, #tpu.memory_space<vmem>>
      %dma_wait3A_46 = tpu.memref_squeeze %dma_wait3A_45 : memref<1x125xi32, #tpu.memory_space<vmem>> -> memref<125xi32, #tpu.memory_space<vmem>>
      %dma_wait3A_47 = arith.constant 0 : i32
      %dma_wait3A_48 = arith.constant 0 : i32
      %dma_wait3A_49 = tpu.memref_slice %arg7[%dma_wait3A_47, %dma_wait3A_48] : memref<10240x64xf32, #tpu.memory_space<vmem_shared>> -> memref<10240x64xf32, #tpu.memory_space<vmem_shared>>
      tpu.wait_indirect_dma semaphore(%arg10 : memref<!tpu.dma_semaphore, #tpu.memory_space<semaphore_mem>>) src(%run_scoped3A_4 : memref<125x64xf32, #tpu.memory_space<vmem>>) dst(%dma_wait3A_49 : memref<10240x64xf32, #tpu.memory_space<vmem_shared>>)
      %dma_wait3A_50 = arith.constant 39 : i32
      %dma_wait3A_51 = arith.constant 0 : i32
      %dma_wait3A_52 = tpu.memref_slice %run_scoped3A_3[%dma_wait3A_50, %dma_wait3A_51] : memref<40x125xi32, #tpu.memory_space<vmem>> -> memref<1x125xi32, #tpu.memory_space<vmem>>
      %dma_wait3A_53 = tpu.memref_squeeze %dma_wait3A_52 : memref<1x125xi32, #tpu.memory_space<vmem>> -> memref<125xi32, #tpu.memory_space<vmem>>
      %dma_wait3A_54 = arith.constant 0 : i32
      %dma_wait3A_55 = arith.constant 0 : i32
      %dma_wait3A_56 = tpu.memref_slice %arg7[%dma_wait3A_54, %dma_wait3A_55] : memref<10240x64xf32, #tpu.memory_space<vmem_shared>> -> memref<10240x64xf32, #tpu.memory_space<vmem_shared>>
      tpu.wait_indirect_dma semaphore(%arg11 : memref<!tpu.dma_semaphore, #tpu.memory_space<semaphore_mem>>) src(%run_scoped3A_5 : memref<125x64xf32, #tpu.memory_space<vmem>>) dst(%dma_wait3A_56 : memref<10240x64xf32, #tpu.memory_space<vmem_shared>>)
      %barrier3A_57 = arith.constant 0 : index
      tpu.barrier barrier_id(%barrier3A_57)
      "tpu.region"() ({
        %run_scoped3A_58 = tpu.sem_alloc : memref<!tpu.dma_semaphore, #tpu.memory_space<semaphore_mem>>
        %dma_start3A_59 = arith.constant 0 : i32
        %dma_start3A_60 = tpu.memref_slice %arg6[%arg0, %mul3A_2, %dma_start3A_59] : memref<2x10240x64xf32, #tpu.memory_space<hbm>> -> memref<1x640x64xf32, #tpu.memory_space<hbm>>
        %dma_start3A_61 = tpu.memref_squeeze %dma_start3A_60 : memref<1x640x64xf32, #tpu.memory_space<hbm>> -> memref<640x64xf32, #tpu.memory_space<hbm>>
        %dma_start3A_62 = arith.constant 0 : i32
        %dma_start3A_63 = tpu.memref_slice %arg7[%mul3A_2, %dma_start3A_62] : memref<10240x64xf32, #tpu.memory_space<vmem_shared>> -> memref<640x64xf32, #tpu.memory_space<vmem_shared>>
        tpu.enqueue_dma source(%dma_start3A_63 : memref<640x64xf32, #tpu.memory_space<vmem_shared>>) target(%dma_start3A_61 : memref<640x64xf32, #tpu.memory_space<hbm>>) target_semaphore(%run_scoped3A_58 : memref<!tpu.dma_semaphore, #tpu.memory_space<semaphore_mem>>)
        %dma_wait3A_64 = arith.constant 0 : i32
        %dma_wait3A_65 = tpu.memref_slice %arg6[%arg0, %mul3A_2, %dma_wait3A_64] : memref<2x10240x64xf32, #tpu.memory_space<hbm>> -> memref<1x640x64xf32, #tpu.memory_space<hbm>>
        %dma_wait3A_66 = tpu.memref_squeeze %dma_wait3A_65 : memref<1x640x64xf32, #tpu.memory_space<hbm>> -> memref<640x64xf32, #tpu.memory_space<hbm>>
        %dma_wait3A_67 = arith.constant 0 : i32
        %dma_wait3A_68 = tpu.memref_slice %arg7[%mul3A_2, %dma_wait3A_67] : memref<10240x64xf32, #tpu.memory_space<vmem_shared>> -> memref<640x64xf32, #tpu.memory_space<vmem_shared>>
        tpu.wait_dma2 semaphore(%run_scoped3A_58 : memref<!tpu.dma_semaphore, #tpu.memory_space<semaphore_mem>>) src(%dma_wait3A_68 : memref<640x64xf32, #tpu.memory_space<vmem_shared>>) dst(%dma_wait3A_66 : memref<640x64xf32, #tpu.memory_space<hbm>>)
        tpu.yield
      }) : () -> ()
      tpu.yield
    }) : () -> ()
    return
  }
}

#map = affine_map<(d0, d1) -> (0, 0)>
#map1 = affine_map<(d0, d1) -> (0, 0, 0)>
module attributes {stable_mosaic.version = 14 : i64} {
  func.func @agg(%arg0: i32, %arg1: i32, %arg2: memref<10240x128xf32, #tpu.memory_space<hbm>>, %arg3: memref<32x80x125xi32, #tpu.memory_space<hbm>>, %arg4: memref<32x80x125xi32, #tpu.memory_space<hbm>>, %arg5: memref<10240x128xf32, #tpu.memory_space<hbm>>, %arg6: memref<2x10240x128xf32, #tpu.memory_space<hbm>>, %arg7: memref<10240x128xf32, #tpu.memory_space<vmem_shared>>, %arg8: memref<!tpu.dma_semaphore, #tpu.memory_space<semaphore_mem>>, %arg9: memref<!tpu.dma_semaphore, #tpu.memory_space<semaphore_mem>>, %arg10: memref<!tpu.dma_semaphore, #tpu.memory_space<semaphore_mem>>, %arg11: memref<!tpu.dma_semaphore, #tpu.memory_space<semaphore_mem>>) attributes {dimension_semantics = [#tpu.dimension_semantics<core_parallel>, #tpu.dimension_semantics<subcore_parallel>], iteration_bounds = array<i64: 2, 16>, scalar_prefetch = 0 : i64, scratch_operands = 5 : i64, tpu.core_type = #tpu.core_type<sc_vector_subcore>, window_params = [{transform_indices = #map}, {transform_indices = #map1}, {transform_indices = #map1}, {transform_indices = #map}, {transform_indices = #map1}]} {
    %mul3A = arith.constant 16 : i32
    %mul3A_0 = arith.muli %arg0, %mul3A : i32
    %add3A = arith.addi %mul3A_0, %arg1 : i32
    %mul3A_1 = arith.constant 640 : i32
    %mul3A_2 = arith.muli %arg1, %mul3A_1 : i32
    "tpu.region"() ({
      %run_scoped3A = memref.alloca() : memref<40x125xi32, #tpu.memory_space<vmem>>
      %run_scoped3A_3 = memref.alloca() : memref<40x125xi32, #tpu.memory_space<vmem>>
      %run_scoped3A_4 = memref.alloca() : memref<125x128xf32, #tpu.memory_space<vmem>>
      %run_scoped3A_5 = memref.alloca() : memref<125x128xf32, #tpu.memory_space<vmem>>
      "tpu.region"() ({
        %run_scoped3A_58 = tpu.sem_alloc : memref<!tpu.dma_semaphore, #tpu.memory_space<semaphore_mem>>
        %dma_start3A_59 = arith.constant 0 : i32
        %dma_start3A_60 = tpu.memref_slice %arg7[%mul3A_2, %dma_start3A_59] : memref<10240x128xf32, #tpu.memory_space<vmem_shared>> -> memref<640x128xf32, #tpu.memory_space<vmem_shared>>
        %dma_start3A_61 = arith.constant 0 : i32
        %dma_start3A_62 = tpu.memref_slice %arg5[%mul3A_2, %dma_start3A_61] : memref<10240x128xf32, #tpu.memory_space<hbm>> -> memref<640x128xf32, #tpu.memory_space<hbm>>
        tpu.enqueue_dma source(%dma_start3A_62 : memref<640x128xf32, #tpu.memory_space<hbm>>) target(%dma_start3A_60 : memref<640x128xf32, #tpu.memory_space<vmem_shared>>) target_semaphore(%run_scoped3A_58 : memref<!tpu.dma_semaphore, #tpu.memory_space<semaphore_mem>>)
        %dma_wait3A_63 = arith.constant 0 : i32
        %dma_wait3A_64 = tpu.memref_slice %arg7[%mul3A_2, %dma_wait3A_63] : memref<10240x128xf32, #tpu.memory_space<vmem_shared>> -> memref<640x128xf32, #tpu.memory_space<vmem_shared>>
        %dma_wait3A_65 = arith.constant 0 : i32
        %dma_wait3A_66 = tpu.memref_slice %arg5[%mul3A_2, %dma_wait3A_65] : memref<10240x128xf32, #tpu.memory_space<hbm>> -> memref<640x128xf32, #tpu.memory_space<hbm>>
        tpu.wait_dma2 semaphore(%run_scoped3A_58 : memref<!tpu.dma_semaphore, #tpu.memory_space<semaphore_mem>>) src(%dma_wait3A_66 : memref<640x128xf32, #tpu.memory_space<hbm>>) dst(%dma_wait3A_64 : memref<640x128xf32, #tpu.memory_space<vmem_shared>>)
        tpu.yield
      }) : () -> ()
      %barrier3A = arith.constant 0 : index
      tpu.barrier barrier_id(%barrier3A)
      "tpu.region"() ({
        %run_scoped3A_58 = tpu.sem_alloc : memref<!tpu.dma_semaphore, #tpu.memory_space<semaphore_mem>>
        %dma_start3A_59 = arith.constant 0 : i32
        %dma_start3A_60 = arith.constant 0 : i32
        %dma_start3A_61 = tpu.memref_slice %arg3[%add3A, %dma_start3A_59, %dma_start3A_60] : memref<32x80x125xi32, #tpu.memory_space<hbm>> -> memref<1x40x125xi32, #tpu.memory_space<hbm>>
        %dma_start3A_62 = tpu.memref_squeeze %dma_start3A_61 : memref<1x40x125xi32, #tpu.memory_space<hbm>> -> memref<40x125xi32, #tpu.memory_space<hbm>>
        %dma_start3A_63 = arith.constant 0 : i32
        %dma_start3A_64 = arith.constant 0 : i32
        %dma_start3A_65 = tpu.memref_slice %arg3[%add3A, %dma_start3A_63, %dma_start3A_64] : memref<32x80x125xi32, #tpu.memory_space<hbm>> -> memref<1x40x125xi32, #tpu.memory_space<hbm>>
        %dma_start3A_66 = tpu.memref_squeeze %dma_start3A_65 : memref<1x40x125xi32, #tpu.memory_space<hbm>> -> memref<40x125xi32, #tpu.memory_space<hbm>>
        tpu.enqueue_dma source(%dma_start3A_66 : memref<40x125xi32, #tpu.memory_space<hbm>>) target(%run_scoped3A : memref<40x125xi32, #tpu.memory_space<vmem>>) target_semaphore(%run_scoped3A_58 : memref<!tpu.dma_semaphore, #tpu.memory_space<semaphore_mem>>)
        %dma_wait3A_67 = arith.constant 0 : i32
        %dma_wait3A_68 = arith.constant 0 : i32
        %dma_wait3A_69 = tpu.memref_slice %arg3[%add3A, %dma_wait3A_67, %dma_wait3A_68] : memref<32x80x125xi32, #tpu.memory_space<hbm>> -> memref<1x40x125xi32, #tpu.memory_space<hbm>>
        %dma_wait3A_70 = tpu.memref_squeeze %dma_wait3A_69 : memref<1x40x125xi32, #tpu.memory_space<hbm>> -> memref<40x125xi32, #tpu.memory_space<hbm>>
        %dma_wait3A_71 = arith.constant 0 : i32
        %dma_wait3A_72 = arith.constant 0 : i32
        %dma_wait3A_73 = tpu.memref_slice %arg3[%add3A, %dma_wait3A_71, %dma_wait3A_72] : memref<32x80x125xi32, #tpu.memory_space<hbm>> -> memref<1x40x125xi32, #tpu.memory_space<hbm>>
        %dma_wait3A_74 = tpu.memref_squeeze %dma_wait3A_73 : memref<1x40x125xi32, #tpu.memory_space<hbm>> -> memref<40x125xi32, #tpu.memory_space<hbm>>
        tpu.wait_dma2 semaphore(%run_scoped3A_58 : memref<!tpu.dma_semaphore, #tpu.memory_space<semaphore_mem>>) src(%dma_wait3A_74 : memref<40x125xi32, #tpu.memory_space<hbm>>) dst(%run_scoped3A : memref<40x125xi32, #tpu.memory_space<vmem>>)
        tpu.yield
      }) : () -> ()
      "tpu.region"() ({
        %run_scoped3A_58 = tpu.sem_alloc : memref<!tpu.dma_semaphore, #tpu.memory_space<semaphore_mem>>
        %dma_start3A_59 = arith.constant 0 : i32
        %dma_start3A_60 = arith.constant 0 : i32
        %dma_start3A_61 = tpu.memref_slice %arg4[%add3A, %dma_start3A_59, %dma_start3A_60] : memref<32x80x125xi32, #tpu.memory_space<hbm>> -> memref<1x40x125xi32, #tpu.memory_space<hbm>>
        %dma_start3A_62 = tpu.memref_squeeze %dma_start3A_61 : memref<1x40x125xi32, #tpu.memory_space<hbm>> -> memref<40x125xi32, #tpu.memory_space<hbm>>
        %dma_start3A_63 = arith.constant 0 : i32
        %dma_start3A_64 = arith.constant 0 : i32
        %dma_start3A_65 = tpu.memref_slice %arg4[%add3A, %dma_start3A_63, %dma_start3A_64] : memref<32x80x125xi32, #tpu.memory_space<hbm>> -> memref<1x40x125xi32, #tpu.memory_space<hbm>>
        %dma_start3A_66 = tpu.memref_squeeze %dma_start3A_65 : memref<1x40x125xi32, #tpu.memory_space<hbm>> -> memref<40x125xi32, #tpu.memory_space<hbm>>
        tpu.enqueue_dma source(%dma_start3A_66 : memref<40x125xi32, #tpu.memory_space<hbm>>) target(%run_scoped3A_3 : memref<40x125xi32, #tpu.memory_space<vmem>>) target_semaphore(%run_scoped3A_58 : memref<!tpu.dma_semaphore, #tpu.memory_space<semaphore_mem>>)
        %dma_wait3A_67 = arith.constant 0 : i32
        %dma_wait3A_68 = arith.constant 0 : i32
        %dma_wait3A_69 = tpu.memref_slice %arg4[%add3A, %dma_wait3A_67, %dma_wait3A_68] : memref<32x80x125xi32, #tpu.memory_space<hbm>> -> memref<1x40x125xi32, #tpu.memory_space<hbm>>
        %dma_wait3A_70 = tpu.memref_squeeze %dma_wait3A_69 : memref<1x40x125xi32, #tpu.memory_space<hbm>> -> memref<40x125xi32, #tpu.memory_space<hbm>>
        %dma_wait3A_71 = arith.constant 0 : i32
        %dma_wait3A_72 = arith.constant 0 : i32
        %dma_wait3A_73 = tpu.memref_slice %arg4[%add3A, %dma_wait3A_71, %dma_wait3A_72] : memref<32x80x125xi32, #tpu.memory_space<hbm>> -> memref<1x40x125xi32, #tpu.memory_space<hbm>>
        %dma_wait3A_74 = tpu.memref_squeeze %dma_wait3A_73 : memref<1x40x125xi32, #tpu.memory_space<hbm>> -> memref<40x125xi32, #tpu.memory_space<hbm>>
        tpu.wait_dma2 semaphore(%run_scoped3A_58 : memref<!tpu.dma_semaphore, #tpu.memory_space<semaphore_mem>>) src(%dma_wait3A_74 : memref<40x125xi32, #tpu.memory_space<hbm>>) dst(%run_scoped3A_3 : memref<40x125xi32, #tpu.memory_space<vmem>>)
        tpu.yield
      }) : () -> ()
      %dma_start3A = arith.constant 0 : i32
      %dma_start3A_6 = arith.constant 0 : i32
      %dma_start3A_7 = tpu.memref_slice %run_scoped3A[%dma_start3A, %dma_start3A_6] : memref<40x125xi32, #tpu.memory_space<vmem>> -> memref<1x125xi32, #tpu.memory_space<vmem>>
      %dma_start3A_8 = tpu.memref_squeeze %dma_start3A_7 : memref<1x125xi32, #tpu.memory_space<vmem>> -> memref<125xi32, #tpu.memory_space<vmem>>
      %dma_start3A_9 = arith.constant 0 : i32
      %dma_start3A_10 = arith.constant 0 : i32
      %dma_start3A_11 = tpu.memref_slice %arg2[%dma_start3A_9, %dma_start3A_10] : memref<10240x128xf32, #tpu.memory_space<hbm>> -> memref<10240x128xf32, #tpu.memory_space<hbm>>
      tpu.enqueue_indirect_dma source(%dma_start3A_11 : memref<10240x128xf32, #tpu.memory_space<hbm>>) target(%run_scoped3A_4 : memref<125x128xf32, #tpu.memory_space<vmem>>) offsets(%dma_start3A_8 : memref<125xi32, #tpu.memory_space<vmem>>) semaphore(%arg8 : memref<!tpu.dma_semaphore, #tpu.memory_space<semaphore_mem>>)
      %scan3A = arith.constant 0 : i32
      %scan3A_12 = arith.constant 0 : i32
      %scan3A_13 = arith.constant 20 : i32
      %scan3A_14 = arith.addi %scan3A_12, %scan3A_13 : i32
      %scan3A_15 = arith.constant 1 : i32
      scf.for %scan3A_58 = %scan3A_12 to %scan3A_14 step %scan3A_15  : i32 {
        %mul3A_59 = arith.constant 2 : i32
        %mul3A_60 = arith.muli %mul3A_59, %scan3A_58 : i32
        %gt3A = arith.constant 0 : i32
        %gt3A_61 = arith.cmpi sgt, %scan3A_58, %gt3A : i32
        %convert_element_type3A = arith.extui %gt3A_61 : i1 to i32
        %cond3A = arith.constant 0 : i32
        %cond3A_62 = arith.cmpi ne, %convert_element_type3A, %cond3A : i32
        scf.if %cond3A_62 {
          %sub3A = arith.constant 1 : i32
          %sub3A_103 = arith.subi %mul3A_60, %sub3A : i32
          %dma_wait3A_104 = arith.constant 0 : i32
          %dma_wait3A_105 = tpu.memref_slice %run_scoped3A_3[%sub3A_103, %dma_wait3A_104] : memref<40x125xi32, #tpu.memory_space<vmem>> -> memref<1x125xi32, #tpu.memory_space<vmem>>
          %dma_wait3A_106 = tpu.memref_squeeze %dma_wait3A_105 : memref<1x125xi32, #tpu.memory_space<vmem>> -> memref<125xi32, #tpu.memory_space<vmem>>
          %dma_wait3A_107 = arith.constant 0 : i32
          %dma_wait3A_108 = arith.constant 0 : i32
          %dma_wait3A_109 = tpu.memref_slice %arg7[%dma_wait3A_107, %dma_wait3A_108] : memref<10240x128xf32, #tpu.memory_space<vmem_shared>> -> memref<10240x128xf32, #tpu.memory_space<vmem_shared>>
          tpu.wait_indirect_dma semaphore(%arg11 : memref<!tpu.dma_semaphore, #tpu.memory_space<semaphore_mem>>) src(%run_scoped3A_5 : memref<125x128xf32, #tpu.memory_space<vmem>>) dst(%dma_wait3A_109 : memref<10240x128xf32, #tpu.memory_space<vmem_shared>>)
        } else {
        }
        %add3A_63 = arith.constant 1 : i32
        %add3A_64 = arith.addi %mul3A_60, %add3A_63 : i32
        %dma_start3A_65 = arith.constant 0 : i32
        %dma_start3A_66 = tpu.memref_slice %run_scoped3A[%add3A_64, %dma_start3A_65] : memref<40x125xi32, #tpu.memory_space<vmem>> -> memref<1x125xi32, #tpu.memory_space<vmem>>
        %dma_start3A_67 = tpu.memref_squeeze %dma_start3A_66 : memref<1x125xi32, #tpu.memory_space<vmem>> -> memref<125xi32, #tpu.memory_space<vmem>>
        %dma_start3A_68 = arith.constant 0 : i32
        %dma_start3A_69 = arith.constant 0 : i32
        %dma_start3A_70 = tpu.memref_slice %arg2[%dma_start3A_68, %dma_start3A_69] : memref<10240x128xf32, #tpu.memory_space<hbm>> -> memref<10240x128xf32, #tpu.memory_space<hbm>>
        tpu.enqueue_indirect_dma source(%dma_start3A_70 : memref<10240x128xf32, #tpu.memory_space<hbm>>) target(%run_scoped3A_5 : memref<125x128xf32, #tpu.memory_space<vmem>>) offsets(%dma_start3A_67 : memref<125xi32, #tpu.memory_space<vmem>>) semaphore(%arg9 : memref<!tpu.dma_semaphore, #tpu.memory_space<semaphore_mem>>)
        %dma_wait3A_71 = arith.constant 0 : i32
        %dma_wait3A_72 = tpu.memref_slice %run_scoped3A[%mul3A_60, %dma_wait3A_71] : memref<40x125xi32, #tpu.memory_space<vmem>> -> memref<1x125xi32, #tpu.memory_space<vmem>>
        %dma_wait3A_73 = tpu.memref_squeeze %dma_wait3A_72 : memref<1x125xi32, #tpu.memory_space<vmem>> -> memref<125xi32, #tpu.memory_space<vmem>>
        %dma_wait3A_74 = arith.constant 0 : i32
        %dma_wait3A_75 = arith.constant 0 : i32
        %dma_wait3A_76 = tpu.memref_slice %arg2[%dma_wait3A_74, %dma_wait3A_75] : memref<10240x128xf32, #tpu.memory_space<hbm>> -> memref<10240x128xf32, #tpu.memory_space<hbm>>
        tpu.wait_indirect_dma semaphore(%arg8 : memref<!tpu.dma_semaphore, #tpu.memory_space<semaphore_mem>>) src(%dma_wait3A_76 : memref<10240x128xf32, #tpu.memory_space<hbm>>) dst(%run_scoped3A_4 : memref<125x128xf32, #tpu.memory_space<vmem>>)
        %dma_start3A_77 = arith.constant 0 : i32
        %dma_start3A_78 = tpu.memref_slice %run_scoped3A_3[%mul3A_60, %dma_start3A_77] : memref<40x125xi32, #tpu.memory_space<vmem>> -> memref<1x125xi32, #tpu.memory_space<vmem>>
        %dma_start3A_79 = tpu.memref_squeeze %dma_start3A_78 : memref<1x125xi32, #tpu.memory_space<vmem>> -> memref<125xi32, #tpu.memory_space<vmem>>
        %dma_start3A_80 = arith.constant 0 : i32
        %dma_start3A_81 = arith.constant 0 : i32
        %dma_start3A_82 = tpu.memref_slice %arg7[%dma_start3A_80, %dma_start3A_81] : memref<10240x128xf32, #tpu.memory_space<vmem_shared>> -> memref<10240x128xf32, #tpu.memory_space<vmem_shared>>
        tpu.enqueue_indirect_dma source(%run_scoped3A_4 : memref<125x128xf32, #tpu.memory_space<vmem>>) target(%dma_start3A_82 : memref<10240x128xf32, #tpu.memory_space<vmem_shared>>) offsets(%dma_start3A_79 : memref<125xi32, #tpu.memory_space<vmem>>) semaphore(%arg10 : memref<!tpu.dma_semaphore, #tpu.memory_space<semaphore_mem>>) {add = true}
        %lt3A = arith.constant 19 : i32
        %lt3A_83 = arith.cmpi slt, %scan3A_58, %lt3A : i32
        %convert_element_type3A_84 = arith.extui %lt3A_83 : i1 to i32
        %cond3A_85 = arith.constant 0 : i32
        %cond3A_86 = arith.cmpi ne, %convert_element_type3A_84, %cond3A_85 : i32
        scf.if %cond3A_86 {
          %dma_wait3A_103 = arith.constant 0 : i32
          %dma_wait3A_104 = tpu.memref_slice %run_scoped3A_3[%mul3A_60, %dma_wait3A_103] : memref<40x125xi32, #tpu.memory_space<vmem>> -> memref<1x125xi32, #tpu.memory_space<vmem>>
          %dma_wait3A_105 = tpu.memref_squeeze %dma_wait3A_104 : memref<1x125xi32, #tpu.memory_space<vmem>> -> memref<125xi32, #tpu.memory_space<vmem>>
          %dma_wait3A_106 = arith.constant 0 : i32
          %dma_wait3A_107 = arith.constant 0 : i32
          %dma_wait3A_108 = tpu.memref_slice %arg7[%dma_wait3A_106, %dma_wait3A_107] : memref<10240x128xf32, #tpu.memory_space<vmem_shared>> -> memref<10240x128xf32, #tpu.memory_space<vmem_shared>>
          tpu.wait_indirect_dma semaphore(%arg10 : memref<!tpu.dma_semaphore, #tpu.memory_space<semaphore_mem>>) src(%run_scoped3A_4 : memref<125x128xf32, #tpu.memory_space<vmem>>) dst(%dma_wait3A_108 : memref<10240x128xf32, #tpu.memory_space<vmem_shared>>)
          %add3A_109 = arith.constant 2 : i32
          %add3A_110 = arith.addi %mul3A_60, %add3A_109 : i32
          %dma_start3A_111 = arith.constant 0 : i32
          %dma_start3A_112 = tpu.memref_slice %run_scoped3A[%add3A_110, %dma_start3A_111] : memref<40x125xi32, #tpu.memory_space<vmem>> -> memref<1x125xi32, #tpu.memory_space<vmem>>
          %dma_start3A_113 = tpu.memref_squeeze %dma_start3A_112 : memref<1x125xi32, #tpu.memory_space<vmem>> -> memref<125xi32, #tpu.memory_space<vmem>>
          %dma_start3A_114 = arith.constant 0 : i32
          %dma_start3A_115 = arith.constant 0 : i32
          %dma_start3A_116 = tpu.memref_slice %arg2[%dma_start3A_114, %dma_start3A_115] : memref<10240x128xf32, #tpu.memory_space<hbm>> -> memref<10240x128xf32, #tpu.memory_space<hbm>>
          tpu.enqueue_indirect_dma source(%dma_start3A_116 : memref<10240x128xf32, #tpu.memory_space<hbm>>) target(%run_scoped3A_4 : memref<125x128xf32, #tpu.memory_space<vmem>>) offsets(%dma_start3A_113 : memref<125xi32, #tpu.memory_space<vmem>>) semaphore(%arg8 : memref<!tpu.dma_semaphore, #tpu.memory_space<semaphore_mem>>)
        } else {
        }
        %add3A_87 = arith.constant 1 : i32
        %add3A_88 = arith.addi %mul3A_60, %add3A_87 : i32
        %dma_wait3A_89 = arith.constant 0 : i32
        %dma_wait3A_90 = tpu.memref_slice %run_scoped3A[%add3A_88, %dma_wait3A_89] : memref<40x125xi32, #tpu.memory_space<vmem>> -> memref<1x125xi32, #tpu.memory_space<vmem>>
        %dma_wait3A_91 = tpu.memref_squeeze %dma_wait3A_90 : memref<1x125xi32, #tpu.memory_space<vmem>> -> memref<125xi32, #tpu.memory_space<vmem>>
        %dma_wait3A_92 = arith.constant 0 : i32
        %dma_wait3A_93 = arith.constant 0 : i32
        %dma_wait3A_94 = tpu.memref_slice %arg2[%dma_wait3A_92, %dma_wait3A_93] : memref<10240x128xf32, #tpu.memory_space<hbm>> -> memref<10240x128xf32, #tpu.memory_space<hbm>>
        tpu.wait_indirect_dma semaphore(%arg9 : memref<!tpu.dma_semaphore, #tpu.memory_space<semaphore_mem>>) src(%dma_wait3A_94 : memref<10240x128xf32, #tpu.memory_space<hbm>>) dst(%run_scoped3A_5 : memref<125x128xf32, #tpu.memory_space<vmem>>)
        %add3A_95 = arith.constant 1 : i32
        %add3A_96 = arith.addi %mul3A_60, %add3A_95 : i32
        %dma_start3A_97 = arith.constant 0 : i32
        %dma_start3A_98 = tpu.memref_slice %run_scoped3A_3[%add3A_96, %dma_start3A_97] : memref<40x125xi32, #tpu.memory_space<vmem>> -> memref<1x125xi32, #tpu.memory_space<vmem>>
        %dma_start3A_99 = tpu.memref_squeeze %dma_start3A_98 : memref<1x125xi32, #tpu.memory_space<vmem>> -> memref<125xi32, #tpu.memory_space<vmem>>
        %dma_start3A_100 = arith.constant 0 : i32
        %dma_start3A_101 = arith.constant 0 : i32
        %dma_start3A_102 = tpu.memref_slice %arg7[%dma_start3A_100, %dma_start3A_101] : memref<10240x128xf32, #tpu.memory_space<vmem_shared>> -> memref<10240x128xf32, #tpu.memory_space<vmem_shared>>
        tpu.enqueue_indirect_dma source(%run_scoped3A_5 : memref<125x128xf32, #tpu.memory_space<vmem>>) target(%dma_start3A_102 : memref<10240x128xf32, #tpu.memory_space<vmem_shared>>) offsets(%dma_start3A_99 : memref<125xi32, #tpu.memory_space<vmem>>) semaphore(%arg11 : memref<!tpu.dma_semaphore, #tpu.memory_space<semaphore_mem>>) {add = true}
      }
      %scan3A_16 = arith.constant 20 : i32
      %dma_wait3A = arith.constant 38 : i32
      %dma_wait3A_17 = arith.constant 0 : i32
      %dma_wait3A_18 = tpu.memref_slice %run_scoped3A_3[%dma_wait3A, %dma_wait3A_17] : memref<40x125xi32, #tpu.memory_space<vmem>> -> memref<1x125xi32, #tpu.memory_space<vmem>>
      %dma_wait3A_19 = tpu.memref_squeeze %dma_wait3A_18 : memref<1x125xi32, #tpu.memory_space<vmem>> -> memref<125xi32, #tpu.memory_space<vmem>>
      %dma_wait3A_20 = arith.constant 0 : i32
      %dma_wait3A_21 = arith.constant 0 : i32
      %dma_wait3A_22 = tpu.memref_slice %arg7[%dma_wait3A_20, %dma_wait3A_21] : memref<10240x128xf32, #tpu.memory_space<vmem_shared>> -> memref<10240x128xf32, #tpu.memory_space<vmem_shared>>
      tpu.wait_indirect_dma semaphore(%arg10 : memref<!tpu.dma_semaphore, #tpu.memory_space<semaphore_mem>>) src(%run_scoped3A_4 : memref<125x128xf32, #tpu.memory_space<vmem>>) dst(%dma_wait3A_22 : memref<10240x128xf32, #tpu.memory_space<vmem_shared>>)
      %dma_wait3A_23 = arith.constant 39 : i32
      %dma_wait3A_24 = arith.constant 0 : i32
      %dma_wait3A_25 = tpu.memref_slice %run_scoped3A_3[%dma_wait3A_23, %dma_wait3A_24] : memref<40x125xi32, #tpu.memory_space<vmem>> -> memref<1x125xi32, #tpu.memory_space<vmem>>
      %dma_wait3A_26 = tpu.memref_squeeze %dma_wait3A_25 : memref<1x125xi32, #tpu.memory_space<vmem>> -> memref<125xi32, #tpu.memory_space<vmem>>
      %dma_wait3A_27 = arith.constant 0 : i32
      %dma_wait3A_28 = arith.constant 0 : i32
      %dma_wait3A_29 = tpu.memref_slice %arg7[%dma_wait3A_27, %dma_wait3A_28] : memref<10240x128xf32, #tpu.memory_space<vmem_shared>> -> memref<10240x128xf32, #tpu.memory_space<vmem_shared>>
      tpu.wait_indirect_dma semaphore(%arg11 : memref<!tpu.dma_semaphore, #tpu.memory_space<semaphore_mem>>) src(%run_scoped3A_5 : memref<125x128xf32, #tpu.memory_space<vmem>>) dst(%dma_wait3A_29 : memref<10240x128xf32, #tpu.memory_space<vmem_shared>>)
      "tpu.region"() ({
        %run_scoped3A_58 = tpu.sem_alloc : memref<!tpu.dma_semaphore, #tpu.memory_space<semaphore_mem>>
        %dma_start3A_59 = arith.constant 40 : i32
        %dma_start3A_60 = arith.constant 0 : i32
        %dma_start3A_61 = tpu.memref_slice %arg3[%add3A, %dma_start3A_59, %dma_start3A_60] : memref<32x80x125xi32, #tpu.memory_space<hbm>> -> memref<1x40x125xi32, #tpu.memory_space<hbm>>
        %dma_start3A_62 = tpu.memref_squeeze %dma_start3A_61 : memref<1x40x125xi32, #tpu.memory_space<hbm>> -> memref<40x125xi32, #tpu.memory_space<hbm>>
        %dma_start3A_63 = arith.constant 40 : i32
        %dma_start3A_64 = arith.constant 0 : i32
        %dma_start3A_65 = tpu.memref_slice %arg3[%add3A, %dma_start3A_63, %dma_start3A_64] : memref<32x80x125xi32, #tpu.memory_space<hbm>> -> memref<1x40x125xi32, #tpu.memory_space<hbm>>
        %dma_start3A_66 = tpu.memref_squeeze %dma_start3A_65 : memref<1x40x125xi32, #tpu.memory_space<hbm>> -> memref<40x125xi32, #tpu.memory_space<hbm>>
        tpu.enqueue_dma source(%dma_start3A_66 : memref<40x125xi32, #tpu.memory_space<hbm>>) target(%run_scoped3A : memref<40x125xi32, #tpu.memory_space<vmem>>) target_semaphore(%run_scoped3A_58 : memref<!tpu.dma_semaphore, #tpu.memory_space<semaphore_mem>>)
        %dma_wait3A_67 = arith.constant 40 : i32
        %dma_wait3A_68 = arith.constant 0 : i32
        %dma_wait3A_69 = tpu.memref_slice %arg3[%add3A, %dma_wait3A_67, %dma_wait3A_68] : memref<32x80x125xi32, #tpu.memory_space<hbm>> -> memref<1x40x125xi32, #tpu.memory_space<hbm>>
        %dma_wait3A_70 = tpu.memref_squeeze %dma_wait3A_69 : memref<1x40x125xi32, #tpu.memory_space<hbm>> -> memref<40x125xi32, #tpu.memory_space<hbm>>
        %dma_wait3A_71 = arith.constant 40 : i32
        %dma_wait3A_72 = arith.constant 0 : i32
        %dma_wait3A_73 = tpu.memref_slice %arg3[%add3A, %dma_wait3A_71, %dma_wait3A_72] : memref<32x80x125xi32, #tpu.memory_space<hbm>> -> memref<1x40x125xi32, #tpu.memory_space<hbm>>
        %dma_wait3A_74 = tpu.memref_squeeze %dma_wait3A_73 : memref<1x40x125xi32, #tpu.memory_space<hbm>> -> memref<40x125xi32, #tpu.memory_space<hbm>>
        tpu.wait_dma2 semaphore(%run_scoped3A_58 : memref<!tpu.dma_semaphore, #tpu.memory_space<semaphore_mem>>) src(%dma_wait3A_74 : memref<40x125xi32, #tpu.memory_space<hbm>>) dst(%run_scoped3A : memref<40x125xi32, #tpu.memory_space<vmem>>)
        tpu.yield
      }) : () -> ()
      "tpu.region"() ({
        %run_scoped3A_58 = tpu.sem_alloc : memref<!tpu.dma_semaphore, #tpu.memory_space<semaphore_mem>>
        %dma_start3A_59 = arith.constant 40 : i32
        %dma_start3A_60 = arith.constant 0 : i32
        %dma_start3A_61 = tpu.memref_slice %arg4[%add3A, %dma_start3A_59, %dma_start3A_60] : memref<32x80x125xi32, #tpu.memory_space<hbm>> -> memref<1x40x125xi32, #tpu.memory_space<hbm>>
        %dma_start3A_62 = tpu.memref_squeeze %dma_start3A_61 : memref<1x40x125xi32, #tpu.memory_space<hbm>> -> memref<40x125xi32, #tpu.memory_space<hbm>>
        %dma_start3A_63 = arith.constant 40 : i32
        %dma_start3A_64 = arith.constant 0 : i32
        %dma_start3A_65 = tpu.memref_slice %arg4[%add3A, %dma_start3A_63, %dma_start3A_64] : memref<32x80x125xi32, #tpu.memory_space<hbm>> -> memref<1x40x125xi32, #tpu.memory_space<hbm>>
        %dma_start3A_66 = tpu.memref_squeeze %dma_start3A_65 : memref<1x40x125xi32, #tpu.memory_space<hbm>> -> memref<40x125xi32, #tpu.memory_space<hbm>>
        tpu.enqueue_dma source(%dma_start3A_66 : memref<40x125xi32, #tpu.memory_space<hbm>>) target(%run_scoped3A_3 : memref<40x125xi32, #tpu.memory_space<vmem>>) target_semaphore(%run_scoped3A_58 : memref<!tpu.dma_semaphore, #tpu.memory_space<semaphore_mem>>)
        %dma_wait3A_67 = arith.constant 40 : i32
        %dma_wait3A_68 = arith.constant 0 : i32
        %dma_wait3A_69 = tpu.memref_slice %arg4[%add3A, %dma_wait3A_67, %dma_wait3A_68] : memref<32x80x125xi32, #tpu.memory_space<hbm>> -> memref<1x40x125xi32, #tpu.memory_space<hbm>>
        %dma_wait3A_70 = tpu.memref_squeeze %dma_wait3A_69 : memref<1x40x125xi32, #tpu.memory_space<hbm>> -> memref<40x125xi32, #tpu.memory_space<hbm>>
        %dma_wait3A_71 = arith.constant 40 : i32
        %dma_wait3A_72 = arith.constant 0 : i32
        %dma_wait3A_73 = tpu.memref_slice %arg4[%add3A, %dma_wait3A_71, %dma_wait3A_72] : memref<32x80x125xi32, #tpu.memory_space<hbm>> -> memref<1x40x125xi32, #tpu.memory_space<hbm>>
        %dma_wait3A_74 = tpu.memref_squeeze %dma_wait3A_73 : memref<1x40x125xi32, #tpu.memory_space<hbm>> -> memref<40x125xi32, #tpu.memory_space<hbm>>
        tpu.wait_dma2 semaphore(%run_scoped3A_58 : memref<!tpu.dma_semaphore, #tpu.memory_space<semaphore_mem>>) src(%dma_wait3A_74 : memref<40x125xi32, #tpu.memory_space<hbm>>) dst(%run_scoped3A_3 : memref<40x125xi32, #tpu.memory_space<vmem>>)
        tpu.yield
      }) : () -> ()
      %dma_start3A_30 = arith.constant 0 : i32
      %dma_start3A_31 = arith.constant 0 : i32
      %dma_start3A_32 = tpu.memref_slice %run_scoped3A[%dma_start3A_30, %dma_start3A_31] : memref<40x125xi32, #tpu.memory_space<vmem>> -> memref<1x125xi32, #tpu.memory_space<vmem>>
      %dma_start3A_33 = tpu.memref_squeeze %dma_start3A_32 : memref<1x125xi32, #tpu.memory_space<vmem>> -> memref<125xi32, #tpu.memory_space<vmem>>
      %dma_start3A_34 = arith.constant 0 : i32
      %dma_start3A_35 = arith.constant 0 : i32
      %dma_start3A_36 = tpu.memref_slice %arg2[%dma_start3A_34, %dma_start3A_35] : memref<10240x128xf32, #tpu.memory_space<hbm>> -> memref<10240x128xf32, #tpu.memory_space<hbm>>
      tpu.enqueue_indirect_dma source(%dma_start3A_36 : memref<10240x128xf32, #tpu.memory_space<hbm>>) target(%run_scoped3A_4 : memref<125x128xf32, #tpu.memory_space<vmem>>) offsets(%dma_start3A_33 : memref<125xi32, #tpu.memory_space<vmem>>) semaphore(%arg8 : memref<!tpu.dma_semaphore, #tpu.memory_space<semaphore_mem>>)
      %scan3A_37 = arith.constant 0 : i32
      %scan3A_38 = arith.constant 0 : i32
      %scan3A_39 = arith.constant 20 : i32
      %scan3A_40 = arith.addi %scan3A_38, %scan3A_39 : i32
      %scan3A_41 = arith.constant 1 : i32
      scf.for %scan3A_58 = %scan3A_38 to %scan3A_40 step %scan3A_41  : i32 {
        %mul3A_59 = arith.constant 2 : i32
        %mul3A_60 = arith.muli %mul3A_59, %scan3A_58 : i32
        %gt3A = arith.constant 0 : i32
        %gt3A_61 = arith.cmpi sgt, %scan3A_58, %gt3A : i32
        %convert_element_type3A = arith.extui %gt3A_61 : i1 to i32
        %cond3A = arith.constant 0 : i32
        %cond3A_62 = arith.cmpi ne, %convert_element_type3A, %cond3A : i32
        scf.if %cond3A_62 {
          %sub3A = arith.constant 1 : i32
          %sub3A_103 = arith.subi %mul3A_60, %sub3A : i32
          %dma_wait3A_104 = arith.constant 0 : i32
          %dma_wait3A_105 = tpu.memref_slice %run_scoped3A_3[%sub3A_103, %dma_wait3A_104] : memref<40x125xi32, #tpu.memory_space<vmem>> -> memref<1x125xi32, #tpu.memory_space<vmem>>
          %dma_wait3A_106 = tpu.memref_squeeze %dma_wait3A_105 : memref<1x125xi32, #tpu.memory_space<vmem>> -> memref<125xi32, #tpu.memory_space<vmem>>
          %dma_wait3A_107 = arith.constant 0 : i32
          %dma_wait3A_108 = arith.constant 0 : i32
          %dma_wait3A_109 = tpu.memref_slice %arg7[%dma_wait3A_107, %dma_wait3A_108] : memref<10240x128xf32, #tpu.memory_space<vmem_shared>> -> memref<10240x128xf32, #tpu.memory_space<vmem_shared>>
          tpu.wait_indirect_dma semaphore(%arg11 : memref<!tpu.dma_semaphore, #tpu.memory_space<semaphore_mem>>) src(%run_scoped3A_5 : memref<125x128xf32, #tpu.memory_space<vmem>>) dst(%dma_wait3A_109 : memref<10240x128xf32, #tpu.memory_space<vmem_shared>>)
        } else {
        }
        %add3A_63 = arith.constant 1 : i32
        %add3A_64 = arith.addi %mul3A_60, %add3A_63 : i32
        %dma_start3A_65 = arith.constant 0 : i32
        %dma_start3A_66 = tpu.memref_slice %run_scoped3A[%add3A_64, %dma_start3A_65] : memref<40x125xi32, #tpu.memory_space<vmem>> -> memref<1x125xi32, #tpu.memory_space<vmem>>
        %dma_start3A_67 = tpu.memref_squeeze %dma_start3A_66 : memref<1x125xi32, #tpu.memory_space<vmem>> -> memref<125xi32, #tpu.memory_space<vmem>>
        %dma_start3A_68 = arith.constant 0 : i32
        %dma_start3A_69 = arith.constant 0 : i32
        %dma_start3A_70 = tpu.memref_slice %arg2[%dma_start3A_68, %dma_start3A_69] : memref<10240x128xf32, #tpu.memory_space<hbm>> -> memref<10240x128xf32, #tpu.memory_space<hbm>>
        tpu.enqueue_indirect_dma source(%dma_start3A_70 : memref<10240x128xf32, #tpu.memory_space<hbm>>) target(%run_scoped3A_5 : memref<125x128xf32, #tpu.memory_space<vmem>>) offsets(%dma_start3A_67 : memref<125xi32, #tpu.memory_space<vmem>>) semaphore(%arg9 : memref<!tpu.dma_semaphore, #tpu.memory_space<semaphore_mem>>)
        %dma_wait3A_71 = arith.constant 0 : i32
        %dma_wait3A_72 = tpu.memref_slice %run_scoped3A[%mul3A_60, %dma_wait3A_71] : memref<40x125xi32, #tpu.memory_space<vmem>> -> memref<1x125xi32, #tpu.memory_space<vmem>>
        %dma_wait3A_73 = tpu.memref_squeeze %dma_wait3A_72 : memref<1x125xi32, #tpu.memory_space<vmem>> -> memref<125xi32, #tpu.memory_space<vmem>>
        %dma_wait3A_74 = arith.constant 0 : i32
        %dma_wait3A_75 = arith.constant 0 : i32
        %dma_wait3A_76 = tpu.memref_slice %arg2[%dma_wait3A_74, %dma_wait3A_75] : memref<10240x128xf32, #tpu.memory_space<hbm>> -> memref<10240x128xf32, #tpu.memory_space<hbm>>
        tpu.wait_indirect_dma semaphore(%arg8 : memref<!tpu.dma_semaphore, #tpu.memory_space<semaphore_mem>>) src(%dma_wait3A_76 : memref<10240x128xf32, #tpu.memory_space<hbm>>) dst(%run_scoped3A_4 : memref<125x128xf32, #tpu.memory_space<vmem>>)
        %dma_start3A_77 = arith.constant 0 : i32
        %dma_start3A_78 = tpu.memref_slice %run_scoped3A_3[%mul3A_60, %dma_start3A_77] : memref<40x125xi32, #tpu.memory_space<vmem>> -> memref<1x125xi32, #tpu.memory_space<vmem>>
        %dma_start3A_79 = tpu.memref_squeeze %dma_start3A_78 : memref<1x125xi32, #tpu.memory_space<vmem>> -> memref<125xi32, #tpu.memory_space<vmem>>
        %dma_start3A_80 = arith.constant 0 : i32
        %dma_start3A_81 = arith.constant 0 : i32
        %dma_start3A_82 = tpu.memref_slice %arg7[%dma_start3A_80, %dma_start3A_81] : memref<10240x128xf32, #tpu.memory_space<vmem_shared>> -> memref<10240x128xf32, #tpu.memory_space<vmem_shared>>
        tpu.enqueue_indirect_dma source(%run_scoped3A_4 : memref<125x128xf32, #tpu.memory_space<vmem>>) target(%dma_start3A_82 : memref<10240x128xf32, #tpu.memory_space<vmem_shared>>) offsets(%dma_start3A_79 : memref<125xi32, #tpu.memory_space<vmem>>) semaphore(%arg10 : memref<!tpu.dma_semaphore, #tpu.memory_space<semaphore_mem>>) {add = true}
        %lt3A = arith.constant 19 : i32
        %lt3A_83 = arith.cmpi slt, %scan3A_58, %lt3A : i32
        %convert_element_type3A_84 = arith.extui %lt3A_83 : i1 to i32
        %cond3A_85 = arith.constant 0 : i32
        %cond3A_86 = arith.cmpi ne, %convert_element_type3A_84, %cond3A_85 : i32
        scf.if %cond3A_86 {
          %dma_wait3A_103 = arith.constant 0 : i32
          %dma_wait3A_104 = tpu.memref_slice %run_scoped3A_3[%mul3A_60, %dma_wait3A_103] : memref<40x125xi32, #tpu.memory_space<vmem>> -> memref<1x125xi32, #tpu.memory_space<vmem>>
          %dma_wait3A_105 = tpu.memref_squeeze %dma_wait3A_104 : memref<1x125xi32, #tpu.memory_space<vmem>> -> memref<125xi32, #tpu.memory_space<vmem>>
          %dma_wait3A_106 = arith.constant 0 : i32
          %dma_wait3A_107 = arith.constant 0 : i32
          %dma_wait3A_108 = tpu.memref_slice %arg7[%dma_wait3A_106, %dma_wait3A_107] : memref<10240x128xf32, #tpu.memory_space<vmem_shared>> -> memref<10240x128xf32, #tpu.memory_space<vmem_shared>>
          tpu.wait_indirect_dma semaphore(%arg10 : memref<!tpu.dma_semaphore, #tpu.memory_space<semaphore_mem>>) src(%run_scoped3A_4 : memref<125x128xf32, #tpu.memory_space<vmem>>) dst(%dma_wait3A_108 : memref<10240x128xf32, #tpu.memory_space<vmem_shared>>)
          %add3A_109 = arith.constant 2 : i32
          %add3A_110 = arith.addi %mul3A_60, %add3A_109 : i32
          %dma_start3A_111 = arith.constant 0 : i32
          %dma_start3A_112 = tpu.memref_slice %run_scoped3A[%add3A_110, %dma_start3A_111] : memref<40x125xi32, #tpu.memory_space<vmem>> -> memref<1x125xi32, #tpu.memory_space<vmem>>
          %dma_start3A_113 = tpu.memref_squeeze %dma_start3A_112 : memref<1x125xi32, #tpu.memory_space<vmem>> -> memref<125xi32, #tpu.memory_space<vmem>>
          %dma_start3A_114 = arith.constant 0 : i32
          %dma_start3A_115 = arith.constant 0 : i32
          %dma_start3A_116 = tpu.memref_slice %arg2[%dma_start3A_114, %dma_start3A_115] : memref<10240x128xf32, #tpu.memory_space<hbm>> -> memref<10240x128xf32, #tpu.memory_space<hbm>>
          tpu.enqueue_indirect_dma source(%dma_start3A_116 : memref<10240x128xf32, #tpu.memory_space<hbm>>) target(%run_scoped3A_4 : memref<125x128xf32, #tpu.memory_space<vmem>>) offsets(%dma_start3A_113 : memref<125xi32, #tpu.memory_space<vmem>>) semaphore(%arg8 : memref<!tpu.dma_semaphore, #tpu.memory_space<semaphore_mem>>)
        } else {
        }
        %add3A_87 = arith.constant 1 : i32
        %add3A_88 = arith.addi %mul3A_60, %add3A_87 : i32
        %dma_wait3A_89 = arith.constant 0 : i32
        %dma_wait3A_90 = tpu.memref_slice %run_scoped3A[%add3A_88, %dma_wait3A_89] : memref<40x125xi32, #tpu.memory_space<vmem>> -> memref<1x125xi32, #tpu.memory_space<vmem>>
        %dma_wait3A_91 = tpu.memref_squeeze %dma_wait3A_90 : memref<1x125xi32, #tpu.memory_space<vmem>> -> memref<125xi32, #tpu.memory_space<vmem>>
        %dma_wait3A_92 = arith.constant 0 : i32
        %dma_wait3A_93 = arith.constant 0 : i32
        %dma_wait3A_94 = tpu.memref_slice %arg2[%dma_wait3A_92, %dma_wait3A_93] : memref<10240x128xf32, #tpu.memory_space<hbm>> -> memref<10240x128xf32, #tpu.memory_space<hbm>>
        tpu.wait_indirect_dma semaphore(%arg9 : memref<!tpu.dma_semaphore, #tpu.memory_space<semaphore_mem>>) src(%dma_wait3A_94 : memref<10240x128xf32, #tpu.memory_space<hbm>>) dst(%run_scoped3A_5 : memref<125x128xf32, #tpu.memory_space<vmem>>)
        %add3A_95 = arith.constant 1 : i32
        %add3A_96 = arith.addi %mul3A_60, %add3A_95 : i32
        %dma_start3A_97 = arith.constant 0 : i32
        %dma_start3A_98 = tpu.memref_slice %run_scoped3A_3[%add3A_96, %dma_start3A_97] : memref<40x125xi32, #tpu.memory_space<vmem>> -> memref<1x125xi32, #tpu.memory_space<vmem>>
        %dma_start3A_99 = tpu.memref_squeeze %dma_start3A_98 : memref<1x125xi32, #tpu.memory_space<vmem>> -> memref<125xi32, #tpu.memory_space<vmem>>
        %dma_start3A_100 = arith.constant 0 : i32
        %dma_start3A_101 = arith.constant 0 : i32
        %dma_start3A_102 = tpu.memref_slice %arg7[%dma_start3A_100, %dma_start3A_101] : memref<10240x128xf32, #tpu.memory_space<vmem_shared>> -> memref<10240x128xf32, #tpu.memory_space<vmem_shared>>
        tpu.enqueue_indirect_dma source(%run_scoped3A_5 : memref<125x128xf32, #tpu.memory_space<vmem>>) target(%dma_start3A_102 : memref<10240x128xf32, #tpu.memory_space<vmem_shared>>) offsets(%dma_start3A_99 : memref<125xi32, #tpu.memory_space<vmem>>) semaphore(%arg11 : memref<!tpu.dma_semaphore, #tpu.memory_space<semaphore_mem>>) {add = true}
      }
      %scan3A_42 = arith.constant 20 : i32
      %dma_wait3A_43 = arith.constant 38 : i32
      %dma_wait3A_44 = arith.constant 0 : i32
      %dma_wait3A_45 = tpu.memref_slice %run_scoped3A_3[%dma_wait3A_43, %dma_wait3A_44] : memref<40x125xi32, #tpu.memory_space<vmem>> -> memref<1x125xi32, #tpu.memory_space<vmem>>
      %dma_wait3A_46 = tpu.memref_squeeze %dma_wait3A_45 : memref<1x125xi32, #tpu.memory_space<vmem>> -> memref<125xi32, #tpu.memory_space<vmem>>
      %dma_wait3A_47 = arith.constant 0 : i32
      %dma_wait3A_48 = arith.constant 0 : i32
      %dma_wait3A_49 = tpu.memref_slice %arg7[%dma_wait3A_47, %dma_wait3A_48] : memref<10240x128xf32, #tpu.memory_space<vmem_shared>> -> memref<10240x128xf32, #tpu.memory_space<vmem_shared>>
      tpu.wait_indirect_dma semaphore(%arg10 : memref<!tpu.dma_semaphore, #tpu.memory_space<semaphore_mem>>) src(%run_scoped3A_4 : memref<125x128xf32, #tpu.memory_space<vmem>>) dst(%dma_wait3A_49 : memref<10240x128xf32, #tpu.memory_space<vmem_shared>>)
      %dma_wait3A_50 = arith.constant 39 : i32
      %dma_wait3A_51 = arith.constant 0 : i32
      %dma_wait3A_52 = tpu.memref_slice %run_scoped3A_3[%dma_wait3A_50, %dma_wait3A_51] : memref<40x125xi32, #tpu.memory_space<vmem>> -> memref<1x125xi32, #tpu.memory_space<vmem>>
      %dma_wait3A_53 = tpu.memref_squeeze %dma_wait3A_52 : memref<1x125xi32, #tpu.memory_space<vmem>> -> memref<125xi32, #tpu.memory_space<vmem>>
      %dma_wait3A_54 = arith.constant 0 : i32
      %dma_wait3A_55 = arith.constant 0 : i32
      %dma_wait3A_56 = tpu.memref_slice %arg7[%dma_wait3A_54, %dma_wait3A_55] : memref<10240x128xf32, #tpu.memory_space<vmem_shared>> -> memref<10240x128xf32, #tpu.memory_space<vmem_shared>>
      tpu.wait_indirect_dma semaphore(%arg11 : memref<!tpu.dma_semaphore, #tpu.memory_space<semaphore_mem>>) src(%run_scoped3A_5 : memref<125x128xf32, #tpu.memory_space<vmem>>) dst(%dma_wait3A_56 : memref<10240x128xf32, #tpu.memory_space<vmem_shared>>)
      %barrier3A_57 = arith.constant 0 : index
      tpu.barrier barrier_id(%barrier3A_57)
      "tpu.region"() ({
        %run_scoped3A_58 = tpu.sem_alloc : memref<!tpu.dma_semaphore, #tpu.memory_space<semaphore_mem>>
        %dma_start3A_59 = arith.constant 0 : i32
        %dma_start3A_60 = tpu.memref_slice %arg6[%arg0, %mul3A_2, %dma_start3A_59] : memref<2x10240x128xf32, #tpu.memory_space<hbm>> -> memref<1x640x128xf32, #tpu.memory_space<hbm>>
        %dma_start3A_61 = tpu.memref_squeeze %dma_start3A_60 : memref<1x640x128xf32, #tpu.memory_space<hbm>> -> memref<640x128xf32, #tpu.memory_space<hbm>>
        %dma_start3A_62 = arith.constant 0 : i32
        %dma_start3A_63 = tpu.memref_slice %arg7[%mul3A_2, %dma_start3A_62] : memref<10240x128xf32, #tpu.memory_space<vmem_shared>> -> memref<640x128xf32, #tpu.memory_space<vmem_shared>>
        tpu.enqueue_dma source(%dma_start3A_63 : memref<640x128xf32, #tpu.memory_space<vmem_shared>>) target(%dma_start3A_61 : memref<640x128xf32, #tpu.memory_space<hbm>>) target_semaphore(%run_scoped3A_58 : memref<!tpu.dma_semaphore, #tpu.memory_space<semaphore_mem>>)
        %dma_wait3A_64 = arith.constant 0 : i32
        %dma_wait3A_65 = tpu.memref_slice %arg6[%arg0, %mul3A_2, %dma_wait3A_64] : memref<2x10240x128xf32, #tpu.memory_space<hbm>> -> memref<1x640x128xf32, #tpu.memory_space<hbm>>
        %dma_wait3A_66 = tpu.memref_squeeze %dma_wait3A_65 : memref<1x640x128xf32, #tpu.memory_space<hbm>> -> memref<640x128xf32, #tpu.memory_space<hbm>>
        %dma_wait3A_67 = arith.constant 0 : i32
        %dma_wait3A_68 = tpu.memref_slice %arg7[%mul3A_2, %dma_wait3A_67] : memref<10240x128xf32, #tpu.memory_space<vmem_shared>> -> memref<640x128xf32, #tpu.memory_space<vmem_shared>>
        tpu.wait_dma2 semaphore(%run_scoped3A_58 : memref<!tpu.dma_semaphore, #tpu.memory_space<semaphore_mem>>) src(%dma_wait3A_68 : memref<640x128xf32, #tpu.memory_space<vmem_shared>>) dst(%dma_wait3A_66 : memref<640x128xf32, #tpu.memory_space<hbm>>)
        tpu.yield
      }) : () -> ()
      tpu.yield
    }) : () -> ()
    return
  }
}

module attributes {stable_mosaic.version = 14 : i64} {
  func.func @_tc_scale_body(%arg0: i32, %arg1: memref<2x2560x1xf32, #tpu.memory_space<vmem>>, %arg2: memref<2560x128xf32, #tpu.memory_space<vmem>>, %arg3: memref<2560x128xf32, #tpu.memory_space<vmem>>) attributes {dimension_semantics = [#tpu.dimension_semantics<arbitrary>], iteration_bounds = array<i64: 4>, scalar_prefetch = 0 : i64, scratch_operands = 0 : i64, tpu.core_type = #tpu.core_type<tc>, window_params = [{transform_indices = @transform_0, window_bounds = array<i64: 2, 2560, 1>}, {transform_indices = @transform_1, window_bounds = array<i64: 2560, 128>}, {transform_indices = @transform_2, window_bounds = array<i64: 2560, 128>}]} {
    %get3A = arith.constant 0 : index
    %get3A_0 = arith.constant 0 : index
    %get3A_1 = vector.load %arg2[%get3A, %get3A_0] : memref<2560x128xf32, #tpu.memory_space<vmem>>, vector<2560x128xf32>
    %get3A_2 = arith.constant 0 : index
    %get3A_3 = arith.constant 0 : index
    %get3A_4 = arith.constant 0 : index
    %get3A_5 = vector.load %arg1[%get3A_2, %get3A_3, %get3A_4] : memref<2x2560x1xf32, #tpu.memory_space<vmem>>, vector<1x2560x1xf32>
    %get3A_6 = vector.shape_cast %get3A_5 : vector<1x2560x1xf32> to vector<2560xf32>
    %get3A_7 = arith.constant 1 : index
    %get3A_8 = arith.constant 0 : index
    %get3A_9 = arith.constant 0 : index
    %get3A_10 = vector.load %arg1[%get3A_7, %get3A_8, %get3A_9] : memref<2x2560x1xf32, #tpu.memory_space<vmem>>, vector<1x2560x1xf32>
    %get3A_11 = vector.shape_cast %get3A_10 : vector<1x2560x1xf32> to vector<2560xf32>
    %add3A = arith.addf %get3A_6, %get3A_11 : vector<2560xf32>
    %add3A_12 = arith.constant 1.000000e+00 : f32
    %add3A_13 = vector.broadcast %add3A_12 : f32 to vector<2560xf32>
    %add3A_14 = arith.addf %add3A, %add3A_13 : vector<2560xf32>
    %rsqrt3A = math.rsqrt %add3A_14 : vector<2560xf32>
    %broadcast_in_dim3A = vector.shape_cast %rsqrt3A : vector<2560xf32> to vector<2560x1xf32>
    %mul3A = vector.broadcast %broadcast_in_dim3A : vector<2560x1xf32> to vector<2560x128xf32>
    %mul3A_15 = arith.mulf %get3A_1, %mul3A : vector<2560x128xf32>
    %swap3A = arith.constant 0 : index
    %swap3A_16 = arith.constant 0 : index
    %swap3A_17 = vector.load %arg3[%swap3A, %swap3A_16] : memref<2560x128xf32, #tpu.memory_space<vmem>>, vector<2560x128xf32>
    tpu.vector_store %arg3[%swap3A, %swap3A_16], %mul3A_15 {strides = array<i32>} : memref<2560x128xf32, #tpu.memory_space<vmem>>, vector<2560x128xf32>,
    return
  }
  func.func @transform_0(%arg0: i32) -> (i32, i32, i32) {
    %c0_i32 = arith.constant 0 : i32
    %c0_i32_0 = arith.constant 0 : i32
    %c0_i32_1 = arith.constant 0 : i32
    return %c0_i32, %arg0, %c0_i32_0 : i32, i32, i32
  }
  func.func @transform_1(%arg0: i32) -> (i32, i32) {
    %c0_i32 = arith.constant 0 : i32
    %c0_i32_0 = arith.constant 0 : i32
    return %arg0, %c0_i32 : i32, i32
  }
  func.func @transform_2(%arg0: i32) -> (i32, i32) {
    %c0_i32 = arith.constant 0 : i32
    %c0_i32_0 = arith.constant 0 : i32
    return %arg0, %c0_i32 : i32, i32
  }
}

module attributes {stable_mosaic.version = 14 : i64} {
  func.func @_tc_mid_body(%arg0: i32, %arg1: memref<2x2560x1xf32, #tpu.memory_space<vmem>>, %arg2: memref<2x2560x128xf32, #tpu.memory_space<vmem>>, %arg3: memref<2560x128xf32, #tpu.memory_space<vmem>>, %arg4: memref<128x256xf32, #tpu.memory_space<vmem>>, %arg5: memref<1x256xf32, #tpu.memory_space<vmem>>, %arg6: memref<256x64xf32, #tpu.memory_space<vmem>>, %arg7: memref<2560x64xf32, #tpu.memory_space<vmem>>) attributes {dimension_semantics = [#tpu.dimension_semantics<arbitrary>], iteration_bounds = array<i64: 4>, scalar_prefetch = 0 : i64, scratch_operands = 0 : i64, tpu.core_type = #tpu.core_type<tc>, window_params = [{transform_indices = @transform_0, window_bounds = array<i64: 2, 2560, 1>}, {transform_indices = @transform_1, window_bounds = array<i64: 2, 2560, 128>}, {transform_indices = @transform_2, window_bounds = array<i64: 2560, 128>}, {pipeline_mode = #tpu.pipeline_mode<synchronous>, transform_indices = @transform_3, window_bounds = array<i64: 128, 256>}, {pipeline_mode = #tpu.pipeline_mode<synchronous>, transform_indices = @transform_4, window_bounds = array<i64: 1, 256>}, {pipeline_mode = #tpu.pipeline_mode<synchronous>, transform_indices = @transform_5, window_bounds = array<i64: 256, 64>}, {transform_indices = @transform_6, window_bounds = array<i64: 2560, 64>}]} {
    %get3A = arith.constant 0 : index
    %get3A_0 = arith.constant 0 : index
    %get3A_1 = arith.constant 0 : index
    %get3A_2 = vector.load %arg1[%get3A, %get3A_0, %get3A_1] : memref<2x2560x1xf32, #tpu.memory_space<vmem>>, vector<1x2560x1xf32>
    %get3A_3 = vector.shape_cast %get3A_2 : vector<1x2560x1xf32> to vector<2560xf32>
    %get3A_4 = arith.constant 1 : index
    %get3A_5 = arith.constant 0 : index
    %get3A_6 = arith.constant 0 : index
    %get3A_7 = vector.load %arg1[%get3A_4, %get3A_5, %get3A_6] : memref<2x2560x1xf32, #tpu.memory_space<vmem>>, vector<1x2560x1xf32>
    %get3A_8 = vector.shape_cast %get3A_7 : vector<1x2560x1xf32> to vector<2560xf32>
    %add3A = arith.addf %get3A_3, %get3A_8 : vector<2560xf32>
    %add3A_9 = arith.constant 1.000000e+00 : f32
    %add3A_10 = vector.broadcast %add3A_9 : f32 to vector<2560xf32>
    %add3A_11 = arith.addf %add3A, %add3A_10 : vector<2560xf32>
    %rsqrt3A = math.rsqrt %add3A_11 : vector<2560xf32>
    %broadcast_in_dim3A = vector.shape_cast %rsqrt3A : vector<2560xf32> to vector<2560x1xf32>
    %get3A_12 = arith.constant 0 : index
    %get3A_13 = arith.constant 0 : index
    %get3A_14 = arith.constant 0 : index
    %get3A_15 = vector.load %arg2[%get3A_12, %get3A_13, %get3A_14] : memref<2x2560x128xf32, #tpu.memory_space<vmem>>, vector<1x2560x128xf32>
    %get3A_16 = vector.shape_cast %get3A_15 : vector<1x2560x128xf32> to vector<2560x128xf32>
    %get3A_17 = arith.constant 1 : index
    %get3A_18 = arith.constant 0 : index
    %get3A_19 = arith.constant 0 : index
    %get3A_20 = vector.load %arg2[%get3A_17, %get3A_18, %get3A_19] : memref<2x2560x128xf32, #tpu.memory_space<vmem>>, vector<1x2560x128xf32>
    %get3A_21 = vector.shape_cast %get3A_20 : vector<1x2560x128xf32> to vector<2560x128xf32>
    %add3A_22 = arith.addf %get3A_16, %get3A_21 : vector<2560x128xf32>
    %get3A_23 = arith.constant 0 : index
    %get3A_24 = arith.constant 0 : index
    %get3A_25 = vector.load %arg3[%get3A_23, %get3A_24] : memref<2560x128xf32, #tpu.memory_space<vmem>>, vector<2560x128xf32>
    %add3A_26 = arith.addf %add3A_22, %get3A_25 : vector<2560x128xf32>
    %mul3A = vector.broadcast %broadcast_in_dim3A : vector<2560x1xf32> to vector<2560x128xf32>
    %mul3A_27 = arith.mulf %add3A_26, %mul3A : vector<2560x128xf32>
    %get3A_28 = arith.constant 0 : index
    %get3A_29 = arith.constant 0 : index
    %get3A_30 = vector.load %arg4[%get3A_28, %get3A_29] : memref<128x256xf32, #tpu.memory_space<vmem>>, vector<128x256xf32>
    %dot_general3A = arith.constant dense<0.000000e+00> : vector<2560x256xf32>
    %dot_general3A_31 = tpu.matmul %mul3A_27, %get3A_30, %dot_general3A {dimension_numbers = #tpu.dot_dimension_numbers<[1], [0], [0], [1], [0, 0, 1, 1], [], []>, transpose_lhs_hint = false} : vector<2560x128xf32>, vector<128x256xf32>, vector<2560x256xf32> -> vector<2560x256xf32>
    %get3A_32 = arith.constant 0 : index
    %get3A_33 = arith.constant 0 : index
    %get3A_34 = vector.load %arg5[%get3A_32, %get3A_33] : memref<1x256xf32, #tpu.memory_space<vmem>>, vector<1x256xf32>
    %add3A_35 = vector.broadcast %get3A_34 : vector<1x256xf32> to vector<2560x256xf32>
    %add3A_36 = arith.addf %dot_general3A_31, %add3A_35 : vector<2560x256xf32>
    %max3A = arith.constant 0.000000e+00 : f32
    %max3A_37 = vector.broadcast %max3A : f32 to vector<2560x256xf32>
    %max3A_38 = arith.maximumf %add3A_36, %max3A_37 : vector<2560x256xf32>
    %get3A_39 = arith.constant 0 : index
    %get3A_40 = arith.constant 0 : index
    %get3A_41 = vector.load %arg6[%get3A_39, %get3A_40] : memref<256x64xf32, #tpu.memory_space<vmem>>, vector<256x64xf32>
    %dot_general3A_42 = arith.constant dense<0.000000e+00> : vector<2560x64xf32>
    %dot_general3A_43 = tpu.matmul %max3A_38, %get3A_41, %dot_general3A_42 {dimension_numbers = #tpu.dot_dimension_numbers<[1], [0], [0], [1], [0, 0, 1, 1], [], []>, transpose_lhs_hint = false} : vector<2560x256xf32>, vector<256x64xf32>, vector<2560x64xf32> -> vector<2560x64xf32>
    %mul3A_44 = vector.broadcast %broadcast_in_dim3A : vector<2560x1xf32> to vector<2560x64xf32>
    %mul3A_45 = arith.mulf %dot_general3A_43, %mul3A_44 : vector<2560x64xf32>
    %swap3A = arith.constant 0 : index
    %swap3A_46 = arith.constant 0 : index
    %swap3A_47 = vector.load %arg7[%swap3A, %swap3A_46] : memref<2560x64xf32, #tpu.memory_space<vmem>>, vector<2560x64xf32>
    tpu.vector_store %arg7[%swap3A, %swap3A_46], %mul3A_45 {strides = array<i32>} : memref<2560x64xf32, #tpu.memory_space<vmem>>, vector<2560x64xf32>,
    return
  }
  func.func @transform_0(%arg0: i32) -> (i32, i32, i32) {
    %c0_i32 = arith.constant 0 : i32
    %c0_i32_0 = arith.constant 0 : i32
    %c0_i32_1 = arith.constant 0 : i32
    return %c0_i32, %arg0, %c0_i32_0 : i32, i32, i32
  }
  func.func @transform_1(%arg0: i32) -> (i32, i32, i32) {
    %c0_i32 = arith.constant 0 : i32
    %c0_i32_0 = arith.constant 0 : i32
    %c0_i32_1 = arith.constant 0 : i32
    return %c0_i32, %arg0, %c0_i32_0 : i32, i32, i32
  }
  func.func @transform_2(%arg0: i32) -> (i32, i32) {
    %c0_i32 = arith.constant 0 : i32
    %c0_i32_0 = arith.constant 0 : i32
    return %arg0, %c0_i32 : i32, i32
  }
  func.func @transform_3(%arg0: i32) -> (i32, i32) {
    %c0_i32 = arith.constant 0 : i32
    %c0_i32_0 = arith.constant 0 : i32
    %c0_i32_1 = arith.constant 0 : i32
    return %c0_i32, %c0_i32_0 : i32, i32
  }
  func.func @transform_4(%arg0: i32) -> (i32, i32) {
    %c0_i32 = arith.constant 0 : i32
    %c0_i32_0 = arith.constant 0 : i32
    %c0_i32_1 = arith.constant 0 : i32
    return %c0_i32, %c0_i32_0 : i32, i32
  }
  func.func @transform_5(%arg0: i32) -> (i32, i32) {
    %c0_i32 = arith.constant 0 : i32
    %c0_i32_0 = arith.constant 0 : i32
    %c0_i32_1 = arith.constant 0 : i32
    return %c0_i32, %c0_i32_0 : i32, i32
  }
  func.func @transform_6(%arg0: i32) -> (i32, i32) {
    %c0_i32 = arith.constant 0 : i32
    %c0_i32_0 = arith.constant 0 : i32
    return %arg0, %c0_i32 : i32, i32
  }
}

module attributes {stable_mosaic.version = 14 : i64} {
  func.func @_tc_dec_body(%arg0: i32, %arg1: memref<2x2560x1xf32, #tpu.memory_space<vmem>>, %arg2: memref<2x2560x64xf32, #tpu.memory_space<vmem>>, %arg3: memref<2560x64xf32, #tpu.memory_space<vmem>>, %arg4: memref<1x64xf32, #tpu.memory_space<vmem>>, %arg5: memref<64x256xf32, #tpu.memory_space<vmem>>, %arg6: memref<1x256xf32, #tpu.memory_space<vmem>>, %arg7: memref<256x8xf32, #tpu.memory_space<vmem>>, %arg8: memref<1x8xf32, #tpu.memory_space<vmem>>, %arg9: memref<2560x8xf32, #tpu.memory_space<vmem>>) attributes {dimension_semantics = [#tpu.dimension_semantics<arbitrary>], iteration_bounds = array<i64: 4>, scalar_prefetch = 0 : i64, scratch_operands = 0 : i64, tpu.core_type = #tpu.core_type<tc>, window_params = [{transform_indices = @transform_0, window_bounds = array<i64: 2, 2560, 1>}, {transform_indices = @transform_1, window_bounds = array<i64: 2, 2560, 64>}, {transform_indices = @transform_2, window_bounds = array<i64: 2560, 64>}, {pipeline_mode = #tpu.pipeline_mode<synchronous>, transform_indices = @transform_3, window_bounds = array<i64: 1, 64>}, {pipeline_mode = #tpu.pipeline_mode<synchronous>, transform_indices = @transform_4, window_bounds = array<i64: 64, 256>}, {pipeline_mode = #tpu.pipeline_mode<synchronous>, transform_indices = @transform_5, window_bounds = array<i64: 1, 256>}, {pipeline_mode = #tpu.pipeline_mode<synchronous>, transform_indices = @transform_6, window_bounds = array<i64: 256, 8>}, {pipeline_mode = #tpu.pipeline_mode<synchronous>, transform_indices = @transform_7, window_bounds = array<i64: 1, 8>}, {transform_indices = @transform_8, window_bounds = array<i64: 2560, 8>}]} {
    %get3A = arith.constant 0 : index
    %get3A_0 = arith.constant 0 : index
    %get3A_1 = arith.constant 0 : index
    %get3A_2 = vector.load %arg1[%get3A, %get3A_0, %get3A_1] : memref<2x2560x1xf32, #tpu.memory_space<vmem>>, vector<1x2560x1xf32>
    %get3A_3 = vector.shape_cast %get3A_2 : vector<1x2560x1xf32> to vector<2560xf32>
    %get3A_4 = arith.constant 1 : index
    %get3A_5 = arith.constant 0 : index
    %get3A_6 = arith.constant 0 : index
    %get3A_7 = vector.load %arg1[%get3A_4, %get3A_5, %get3A_6] : memref<2x2560x1xf32, #tpu.memory_space<vmem>>, vector<1x2560x1xf32>
    %get3A_8 = vector.shape_cast %get3A_7 : vector<1x2560x1xf32> to vector<2560xf32>
    %add3A = arith.addf %get3A_3, %get3A_8 : vector<2560xf32>
    %add3A_9 = arith.constant 1.000000e+00 : f32
    %add3A_10 = vector.broadcast %add3A_9 : f32 to vector<2560xf32>
    %add3A_11 = arith.addf %add3A, %add3A_10 : vector<2560xf32>
    %rsqrt3A = math.rsqrt %add3A_11 : vector<2560xf32>
    %broadcast_in_dim3A = vector.shape_cast %rsqrt3A : vector<2560xf32> to vector<2560x1xf32>
    %get3A_12 = arith.constant 0 : index
    %get3A_13 = arith.constant 0 : index
    %get3A_14 = arith.constant 0 : index
    %get3A_15 = vector.load %arg2[%get3A_12, %get3A_13, %get3A_14] : memref<2x2560x64xf32, #tpu.memory_space<vmem>>, vector<1x2560x64xf32>
    %get3A_16 = vector.shape_cast %get3A_15 : vector<1x2560x64xf32> to vector<2560x64xf32>
    %get3A_17 = arith.constant 1 : index
    %get3A_18 = arith.constant 0 : index
    %get3A_19 = arith.constant 0 : index
    %get3A_20 = vector.load %arg2[%get3A_17, %get3A_18, %get3A_19] : memref<2x2560x64xf32, #tpu.memory_space<vmem>>, vector<1x2560x64xf32>
    %get3A_21 = vector.shape_cast %get3A_20 : vector<1x2560x64xf32> to vector<2560x64xf32>
    %add3A_22 = arith.addf %get3A_16, %get3A_21 : vector<2560x64xf32>
    %get3A_23 = arith.constant 0 : index
    %get3A_24 = arith.constant 0 : index
    %get3A_25 = vector.load %arg3[%get3A_23, %get3A_24] : memref<2560x64xf32, #tpu.memory_space<vmem>>, vector<2560x64xf32>
    %add3A_26 = arith.addf %add3A_22, %get3A_25 : vector<2560x64xf32>
    %mul3A = vector.broadcast %broadcast_in_dim3A : vector<2560x1xf32> to vector<2560x64xf32>
    %mul3A_27 = arith.mulf %add3A_26, %mul3A : vector<2560x64xf32>
    %get3A_28 = arith.constant 0 : index
    %get3A_29 = arith.constant 0 : index
    %get3A_30 = vector.load %arg4[%get3A_28, %get3A_29] : memref<1x64xf32, #tpu.memory_space<vmem>>, vector<1x64xf32>
    %add3A_31 = vector.broadcast %get3A_30 : vector<1x64xf32> to vector<2560x64xf32>
    %add3A_32 = arith.addf %mul3A_27, %add3A_31 : vector<2560x64xf32>
    %get3A_33 = arith.constant 0 : index
    %get3A_34 = arith.constant 0 : index
    %get3A_35 = vector.load %arg5[%get3A_33, %get3A_34] : memref<64x256xf32, #tpu.memory_space<vmem>>, vector<64x256xf32>
    %dot_general3A = arith.constant dense<0.000000e+00> : vector<2560x256xf32>
    %dot_general3A_36 = tpu.matmul %add3A_32, %get3A_35, %dot_general3A {dimension_numbers = #tpu.dot_dimension_numbers<[1], [0], [0], [1], [0, 0, 1, 1], [], []>, transpose_lhs_hint = false} : vector<2560x64xf32>, vector<64x256xf32>, vector<2560x256xf32> -> vector<2560x256xf32>
    %get3A_37 = arith.constant 0 : index
    %get3A_38 = arith.constant 0 : index
    %get3A_39 = vector.load %arg6[%get3A_37, %get3A_38] : memref<1x256xf32, #tpu.memory_space<vmem>>, vector<1x256xf32>
    %add3A_40 = vector.broadcast %get3A_39 : vector<1x256xf32> to vector<2560x256xf32>
    %add3A_41 = arith.addf %dot_general3A_36, %add3A_40 : vector<2560x256xf32>
    %max3A = arith.constant 0.000000e+00 : f32
    %max3A_42 = vector.broadcast %max3A : f32 to vector<2560x256xf32>
    %max3A_43 = arith.maximumf %add3A_41, %max3A_42 : vector<2560x256xf32>
    %get3A_44 = arith.constant 0 : index
    %get3A_45 = arith.constant 0 : index
    %get3A_46 = vector.load %arg7[%get3A_44, %get3A_45] : memref<256x8xf32, #tpu.memory_space<vmem>>, vector<256x8xf32>
    %dot_general3A_47 = arith.constant dense<0.000000e+00> : vector<2560x8xf32>
    %dot_general3A_48 = tpu.matmul %max3A_43, %get3A_46, %dot_general3A_47 {dimension_numbers = #tpu.dot_dimension_numbers<[1], [0], [0], [1], [0, 0, 1, 1], [], []>, transpose_lhs_hint = false} : vector<2560x256xf32>, vector<256x8xf32>, vector<2560x8xf32> -> vector<2560x8xf32>
    %get3A_49 = arith.constant 0 : index
    %get3A_50 = arith.constant 0 : index
    %get3A_51 = vector.load %arg8[%get3A_49, %get3A_50] : memref<1x8xf32, #tpu.memory_space<vmem>>, vector<1x8xf32>
    %add3A_52 = vector.broadcast %get3A_51 : vector<1x8xf32> to vector<2560x8xf32>
    %add3A_53 = arith.addf %dot_general3A_48, %add3A_52 : vector<2560x8xf32>
    %swap3A = arith.constant 0 : index
    %swap3A_54 = arith.constant 0 : index
    %swap3A_55 = vector.load %arg9[%swap3A, %swap3A_54] : memref<2560x8xf32, #tpu.memory_space<vmem>>, vector<2560x8xf32>
    tpu.vector_store %arg9[%swap3A, %swap3A_54], %add3A_53 {strides = array<i32>} : memref<2560x8xf32, #tpu.memory_space<vmem>>, vector<2560x8xf32>,
    return
  }
  func.func @transform_0(%arg0: i32) -> (i32, i32, i32) {
    %c0_i32 = arith.constant 0 : i32
    %c0_i32_0 = arith.constant 0 : i32
    %c0_i32_1 = arith.constant 0 : i32
    return %c0_i32, %arg0, %c0_i32_0 : i32, i32, i32
  }
  func.func @transform_1(%arg0: i32) -> (i32, i32, i32) {
    %c0_i32 = arith.constant 0 : i32
    %c0_i32_0 = arith.constant 0 : i32
    %c0_i32_1 = arith.constant 0 : i32
    return %c0_i32, %arg0, %c0_i32_0 : i32, i32, i32
  }
  func.func @transform_2(%arg0: i32) -> (i32, i32) {
    %c0_i32 = arith.constant 0 : i32
    %c0_i32_0 = arith.constant 0 : i32
    return %arg0, %c0_i32 : i32, i32
  }
  func.func @transform_3(%arg0: i32) -> (i32, i32) {
    %c0_i32 = arith.constant 0 : i32
    %c0_i32_0 = arith.constant 0 : i32
    %c0_i32_1 = arith.constant 0 : i32
    return %c0_i32, %c0_i32_0 : i32, i32
  }
  func.func @transform_4(%arg0: i32) -> (i32, i32) {
    %c0_i32 = arith.constant 0 : i32
    %c0_i32_0 = arith.constant 0 : i32
    %c0_i32_1 = arith.constant 0 : i32
    return %c0_i32, %c0_i32_0 : i32, i32
  }
  func.func @transform_5(%arg0: i32) -> (i32, i32) {
    %c0_i32 = arith.constant 0 : i32
    %c0_i32_0 = arith.constant 0 : i32
    %c0_i32_1 = arith.constant 0 : i32
    return %c0_i32, %c0_i32_0 : i32, i32
  }
  func.func @transform_6(%arg0: i32) -> (i32, i32) {
    %c0_i32 = arith.constant 0 : i32
    %c0_i32_0 = arith.constant 0 : i32
    %c0_i32_1 = arith.constant 0 : i32
    return %c0_i32, %c0_i32_0 : i32, i32
  }
  func.func @transform_7(%arg0: i32) -> (i32, i32) {
    %c0_i32 = arith.constant 0 : i32
    %c0_i32_0 = arith.constant 0 : i32
    %c0_i32_1 = arith.constant 0 : i32
    return %c0_i32, %c0_i32_0 : i32, i32
  }
  func.func @transform_8(%arg0: i32) -> (i32, i32) {
    %c0_i32 = arith.constant 0 : i32
    %c0_i32_0 = arith.constant 0 : i32
    return %arg0, %c0_i32 : i32, i32
  }
}

</mosaic_0001>

<sc_bundles>
// kernel: kernel.11.cloned.1.call-start
scs
__scs_entry_jumppad:
0x0: {  	(pc) =	sbr.rel $0x88, $3  }
0x1: {  	(tag) =	ssettag $0x0;
	lr =	simm.s32 $0x1  }
0x2: {  	[smem:$0x3F97] =	sst lr;
	_ =	strace $0xD0000000  }
0x3: {  	_ = 	snop  }
0x4: {  	_ = 	snop  }
0x5: {  	_ = 	snop  }
0x6: {  	_ = 	snop  }
0x7: {  	_ = 	snop  }
__scs_overlays_trampoline_lowered:
0x8: {  	[smem:$0x3FA6] =	sst s0  }
0x9: {  	[smem:$0x3FA7] =	sst s1  }
0xa: {  	[smem:$0x3FA8] =	sst s2  }
0xb: {  	[smem:$0x3FA9] =	sst s3  }
0xc: {  	[smem:$0x3FAA] =	sst s4  }
0xd: {  	[smem:$0x3FAB] =	sst s5  }
0xe: {  	[smem:$0x3FAC] =	sst s6  }
0xf: {  	[smem:$0x3FAD] =	sst s7  }
0x10: {  	[smem:$0x3FAE] =	sst s8  }
0x11: {  	[smem:$0x3FAF] =	sst s9;
	s0 =	simm.s32 @!p0 $0x0  }
0x12: {  	s1 =	sld [smem:$0x3F95];
	s0 =	simm.s32 @p0 $0x1  }
0x13: {  	[smem:$0x3FB0] =	sst s0;
	s0 =	simm.s32 @!p1 $0x0  }
0x14: {  	s2 =	sld [smem:$0x3F94];
	s0 =	simm.s32 @p1 $0x1  }
0x15: {  	[smem:$0x3FB1] =	sst s0;
	s0 =	simm.s32 @!p2 $0x0  }
0x16: {  	s3 =	sld [smem:$0x3FDB];
	s0 =	simm.s32 @p2 $0x1  }
0x17: {  	s4 =	simm.s32 $0x1BF5;
	[smem:$0x3FB3] =	sst s0  }
0x18: {  	s0 =	sld [smem:$0x3F96];
	_ =	swait.ge [sflag:s4], $0x0  }
0x19: {  	s7 =	sld [smem:$0x3F97]  }
0x1a: {  	s8 =	sadd.s32 $0xFFFFE003, lr  }
0x1b: {  	s9 =	sadd.s32 $0xFFFFFEF7, lr;
	s5 =	simm.s32 $0xFFFFFFFF;
	p2 =	slt.u32 s8, $0xFFFFF086  }
0x1c: {  	p1 =	slt.u32 s9, $0xF7A;
	s5 =	simm.s32 @!p2 $0x0  }
0x1d: {  	s5 =	simm.s32 @p1 $0x1;
	p0 =	seq.s32 s7, s2  }
0x1e: {  	s7 =	smul.u32 @!p0 $0xF7A, s2;
	p2 =	seq.s32 @!p0 s5, $0x0  }
0x1f: {  	s9 =	smul.u32 $0xF7A, s1;
	s8 =	simm.s32 @!p0 $0x1BF5;
	p2 =	por !p2, p0  }
0x20: {  	[sflag:s8] =	ssyncset.s32 @!p0 $0xFFFFF086;
	s6 =	sadd.s32 @!p0 s3, s7;
	s7 =	simm.s32 @!p0 $0x108  }
0x21: {  	s3 =	sadd.s32 s3, s9;
	s6 =	sadd.s32 @!p0 $0x88, s6;
	s7 =	simm.s32 @p2 $0x1082  }
0x22: {  	[simem:s7], [sflag:s8] =	dma.local @!p0 [hbm:s6], $0xF7A  }
0x23: {  	s9 =	sor.u32 $0xD0000000, s2;
	s6 =	simm.s32 $0x108;
	_ =	swait.ge @!p0 [sflag:s8], $0x0  }
0x24: {  	s3 =	sadd.s32 $0x88, s3;
	s6 =	simm.s32 @!p1 $0x1082;
	[sflag:s4] =	ssyncset.s32 $0xFFFFF086  }
0x25: {  	[simem:s6], [sflag:s4] =	dma.local [hbm:s3], $0xF7A  }
0x26: {  	[smem:$0x3F97] =	sst s1;
	(tag) =	ssettag s2;
	_ =	strace s9  }
0x27: {  	s1 =	sld [smem:$0x3FA7]  }
0x28: {  	s2 =	sld [smem:$0x3FA8]  }
0x29: {  	s4 =	sld [smem:$0x3FAA]  }
0x2a: {  	p0 =	seq.s32 s5, $0x0;
	s5 =	sld [smem:$0x3FAB]  }
0x2b: {  	s6 =	sld [smem:$0x3FAC]  }
0x2c: {  	s7 =	sld [smem:$0x3FAD]  }
0x2d: {  	s3 =	simm.s32 $0x108;
	s8 =	sld [smem:$0x3FAE]  }
0x2e: {  	s3 =	simm.s32 @!p0 $0x1082;
	s9 =	sld [smem:$0x3FAF]  }
0x2f: {  	lr =	sadd.s32 s0, s3;
	s0 =	sld [smem:$0x3FA6]  }
0x30: {  	s3 =	sld [smem:$0x3FA9]  }
0x31: {  	[smem:$0x3FB2] =	sst s10  }
0x32: {  	s10 =	sld [smem:$0x3FB0];
	_ =	sdelay $0x3  }
0x33: {  	p0 =	seq.s32 s10, $0x1;
	s10 =	sld [smem:$0x3FB2];
	_ =	sdelay $0x3  }
0x34: {  	[smem:$0x3FB2] =	sst s10  }
0x35: {  	s10 =	sld [smem:$0x3FB1];
	_ =	sdelay $0x3  }
0x36: {  	p1 =	seq.s32 s10, $0x1;
	s10 =	sld [smem:$0x3FB2];
	_ =	sdelay $0x3  }
0x37: {  	[smem:$0x3FB2] =	sst s10  }
0x38: {  	s10 =	sld [smem:$0x3FB3]  }
0x39: {  	_ = 	snop;
	(pc) =	sbr.ind lr, $3  }
0x3a: {  	_ = 	snop  }
0x3b: {  	_ = 	snop  }
0x3c: {  	p2 =	seq.s32 s10, $0x1;
	s10 =	sld [smem:$0x3FB2]  }
0x3d: {  	_ =	shalt  }
0x3e: {  	_ =	shalt  }
0x3f: {  	_ =	shalt  }
0x40: {  	_ =	shalt  }
0x41: {  	_ =	shalt  }
0x42: {  	_ =	shalt  }
0x43: {  	_ =	shalt  }
0x44: {  	_ =	shalt  }
0x45: {  	_ =	shalt  }
0x46: {  	_ =	shalt  }
0x47: {  	_ =	shalt  }
0x48: {  	_ =	shalt  }
0x49: {  	_ =	shalt  }
0x4a: {  	_ =	shalt  }
0x4b: {  	_ =	shalt  }
0x4c: {  	_ =	shalt  }
0x4d: {  	_ =	shalt  }
0x4e: {  	_ =	shalt  }
0x4f: {  	_ =	shalt  }
0x50: {  	_ =	shalt  }
0x51: {  	_ =	shalt  }
0x52: {  	_ =	shalt  }
0x53: {  	_ =	shalt  }
0x54: {  	_ =	shalt  }
0x55: {  	_ =	shalt  }
0x56: {  	_ =	shalt  }
0x57: {  	_ =	shalt  }
0x58: {  	_ =	shalt  }
0x59: {  	_ =	shalt  }
0x5a: {  	_ =	shalt  }
0x5b: {  	_ =	shalt  }
0x5c: {  	_ =	shalt  }
0x5d: {  	_ =	shalt  }
0x5e: {  	_ =	shalt  }
0x5f: {  	_ =	shalt  }
0x60: {  	_ =	shalt  }
0x61: {  	_ =	shalt  }
0x62: {  	_ =	shalt  }
0x63: {  	_ =	shalt  }
0x64: {  	_ =	shalt  }
0x65: {  	_ =	shalt  }
0x66: {  	_ =	shalt  }
0x67: {  	_ =	shalt  }
0x68: {  	_ =	shalt  }
0x69: {  	_ =	shalt  }
0x6a: {  	_ =	shalt  }
0x6b: {  	_ =	shalt  }
0x6c: {  	_ =	shalt  }
0x6d: {  	_ =	shalt  }
0x6e: {  	_ =	shalt  }
0x6f: {  	_ =	shalt  }
0x70: {  	_ =	shalt  }
0x71: {  	_ =	shalt  }
0x72: {  	_ =	shalt  }
0x73: {  	_ =	shalt  }
0x74: {  	_ =	shalt  }
0x75: {  	_ =	shalt  }
0x76: {  	_ =	shalt  }
0x77: {  	_ =	shalt  }
0x78: {  	_ =	shalt  }
0x79: {  	_ =	shalt  }
0x7a: {  	_ =	shalt  }
0x7b: {  	_ =	shalt  }
0x7c: {  	_ =	shalt  }
0x7d: {  	_ =	shalt  }
0x7e: {  	_ =	shalt  }
0x7f: {  	_ =	shalt  }
0x80: {  	_ =	shalt  }
0x81: {  	_ =	shalt  }
0x82: {  	_ =	shalt  }
0x83: {  	_ =	shalt  }
0x84: {  	_ =	shalt  }
0x85: {  	_ =	shalt  }
0x86: {  	_ =	shalt  }
0x87: {  	_ =	shalt  }
.Lfunc_end0:
.L_simem_size_0:
called_computation.1_lowered:
.L_overlay_start_0:
0x88: {  	s2 =	sld [smem:$0x3FD9]  }
0x89: {  	s3 =	sld [smem:$0x3FFE];
	_ =	sdelay $0x1  }
0x8a: {  	s1 =	srdreg.scid  }
0x8b: {  	s0 =	sand.u32 $0x1, s1  }
0x8c: {  	s16 =	sshll.u32 s0, $0xA;
	s2 =	sadd.s32 s3, s2  }
0x8d: {  	s2 =	sadd.s32 s2, s16  }
0x8e: {  	[smem:$0x3FBE] =	sst s2  }
0x8f: {  	_ = 	snop  }
0x90: {  	(tm) =	ssettm $0x1  }
0x91: {  	s17 =	sld [smem:$0x3FFB];
	_ =	sdelay $0x3  }
0x92: {  	_ =	strace s17  }
0x93: {  	s2 =	sld [smem:$0x3FFC];
	_ =	sdelay $0x3  }
0x94: {  	_ =	strace s2  }
0x95: {  	s2 =	sld [smem:$0x3FFD];
	_ =	sdelay $0x3  }
0x96: {  	_ =	strace s2  }
0x97: {  	_ =	strace $0x8FFFFFFF  }
0x98: {  	s18 =	sld [smem:$0x3FDB];
	_ =	sdelay $0x1  }
0x99: {  	s19 =	simm.s32 $_scs_section_size  }
0x9a: {  	s4 =	simm.s32 $_size__tile_overlayer_lowered;
	s5 =	simm.s32 $_tile_overlayer_lowered  }
0x9b: {  	s22 =	simm.s32 $0x1BFF;
	s21 =	sshll.u32 s5, $0x1;
	s2 =	sadd.s32 s19, s18  }
0x9c: {  	s6 =	simm.s32 $0x0;
	s20 =	sshll.u32 s4, $0x1;
	s4 =	sadd.s32 s21, s2  }
0x9d: {  	[timem:s6], [sflag:s22] =	dma.local [hbm:s4], s20  }
0x9e: {  	_ =	swait.ge [sflag:s22], s20  }
0x9f: {  	s3 =	ssub.s32 $0x0, s20;
	[sflag:s22] =	ssyncset.done $0x0  }
0xa0: {  	[sflag:s22] =	ssyncadd.s32 s3;
	_ =	sdelay $0x1  }
0xa1: {  	s23 =	simm.s32 $0x1B8B  }
0xa2: {  	_ =	swait.ge [sflag:s23], $0x1  }
0xa3: {  	[sflag:s23] =	ssyncset.done $0x0  }
0xa4: {  	s25 =	simm.s32 $0x1B8E;
	s24 =	sld [smem:$0x3FFE];
	[sflag:s23] =	ssyncadd.s32 $0xFFFFFFFF  }
0xa5: {  	s26 =	simm.s32 $execute0_lowered;
	[smem:$0x3FD2] =	sst s25  }
0xa6: {  	s4 =	sshll.u32 s26, $0x1;
	_ =	strace $0x80000049;
	[dreg:$0x1] =	wrdreg $0xFFFFFFFF  }
0xa7: {  	s28 =	simm.s32 $_size_execute0_lowered;
	s2 =	sadd.s32 s2, s4;
	[dreg:$0x0] =	wrdreg $0x0  }
0xa8: {  	s4 =	sshll.u32 s28, $0x1;
	[dreg:$0x2] =	wrdreg s2  }
0xa9: {  	[dreg:$0x3] =	wrdreg s4  }
0xaa: {  	[dreg:$0x4] =	wrdreg $0xC0  }
0xab: {  	_ =	task [dreg:s6], $0x5FFFF  }
0xac: {  	[dreg:$0x1] =	wrdreg $0xFFFFFFFF  }
0xad: {  	[dreg:$0x0] =	wrdreg $0x60  }
0xae: {  	[dreg:$0x2] =	wrdreg s24  }
0xaf: {  	[dreg:$0x3] =	wrdreg $0x0  }
0xb0: {  	[dreg:$0x4] =	wrdreg $0x9  }
0xb1: {  	_ =	task.clear_ibuf [dreg:s6], $0x5FFFF;
	_ =	strace $0x90000049  }
0xb2: {  	s29 =	simm.s32 $0x9;
	_ =	strace $0x8000004B  }
0xb3: {  	_ =	swait.ge [sflag:s29], $0x1  }
0xb4: {  	[sflag:s29] =	ssyncadd.s32 $0xFFFFFFFF  }
0xb5: {  	_ =	strace $0x9000004B  }
0xb6: {  	_ =	sfence  }
0xb7: {  	s30 =	sld [smem:$0x0];
	_ =	sdelay $0x2  }
0xb8: {  	s31 =	sshll.u32 s1, $0xD;
	s1 =	sshrl.u32 s1, $0x2  }
0xb9: {  	s3 =	sand.u32 $0x4000, s31;
	s1 =	sadd.s32 s1, s30  }
0xba: {  	s0 =	sor.u32 s3, s0;
	s1 =	sshll.u32 s1, $0x11  }
0xbb: {  	s0 =	sor.u32 s1, s0  }
0xbc: {  	s0 =	sadd.s32 $0x8F2B, s0  }
0xbd: {  	[sflag:s0] =	ssyncadd.remote.s32 $0x1  }
0xbe: {  	_ =	sfence.sel $0xFFFF  }
0xbf: {  	[dreg:$0x0] =	wrdreg $0xFFFFFFFF;
	(pc) =	sbr.abs _section_cstart, $3  }
0xc0: {  	[dreg:$0x1] =	wrdreg $0xFFFFFFFF  }
0xc1: {  	_ =	task.clear_ibuf [dreg:s6], $0x2FFFF;
	_ =	strace $0x9FFFFFFF  }
0xc2: {  	(tm) =	ssettm $0x7FFFFFFF  }
0xc3: {  	_ =	shalt  }
tec
execute0_lowered:
.L_overlay_start_1:
0x0: {  	(tag) =	ssettag $0x1  }
0x1: {  	s0 =	rddreg [dreg:$0x0]  }
0x2: {  	s2 =	rddreg [dreg:$0x1];
	s3 =	simm.s32 $0x0  }
0x3: {  	s12 =	stileid.u32;
	s1 =	srdreg.scid;
	s14 =	simm.s32 $0x5  }
0x4: {  	s15 =	simm.s32 $0x14000;
	s16 =	simm.s32 $0x15400;
	s17 =	simm.s32 $0x7D  }
0x5: {  	s18 =	simm.s32 $0x16800;
	s19 =	simm.s32 $0x14080;
	s20 =	simm.s32 $0x1A680  }
0x6: {  	s28 =	simm.s32 $0x15380;
	s29 =	simm.s32 $0x16700;
	s30 =	simm.s32 $0x16780  }
0x7: {  	s31 =	simm.s32 $0x0;
	[smem:$0x7FF] =	sst s3;
	s5 =	smul.u32 $0x14000, s12  }
0x8: {  	s1 =	sand.u32 $0x1, s1;
	s4 =	sadd.s32 $0x16800, s0;
	s9 =	sadd.s32 $0xC800, s0  }
0x9: {  	s10 =	sadd.s32 $0x2000, s0;
	s8 =	smul.u32 $0x50000, s12;
	s23 =	sshll.u32 s12, $0x6  }
0xa: {  	s6 =	smul.u32 $0x140000, s1;
	s21 =	sshll.u32 s1, $0x4;
	s1 =	ssub.s32 $0x2, s1  }
0xb: {  	_ =	strace $0x8000004A;
	s7 =	sshrl.u32 s5, $0x3;
	s11 =	sshrl.u32 s1, $0x1  }
0xc: {  	s22 =	sshrl.u32 s8, $0x2;
	s7 =	sadd.s32 s7, s0;
	s5 =	sadd.s32 s5, s6  }
0xd: {  	s6 =	sor.u32 s12, s21;
	s1 =	ssub.s32 s1, s11;
	s13 =	sadd.s32 s22, s2  }
0xe: {  	s21 =	simm.s32 $0x1;
	s22 =	simm.s32 $0x3;
	s5 =	sshrl.u32 s5, $0x3  }
0xf: {  	s6 =	smul.u32 $0x2800, s6;
	s25 =	sadd.s32 $0x3E800, s7;
	s12 =	smax.u32 s1, $0x1  }
0x10: {  	s13 =	sshrl.u32 s13, $0x3;
	s0 =	sadd.s32 s5, s0;
	[dreg:$0x3] =	wrdreg s25  }
0x11: {  	s25 =	simm.s32 $0x15480;
	s24 =	sshrl.u32 s6, $0x3;
	s6 =	sor.u32 $0x1C05, s23  }
0x12: {  	s11 =	sadd.s32 $0x66800, s0;
	s23 =	simm.s32 $0x14100;
	s26 =	sadd.s32 $0x280, s24  }
0x13: {  	s7 =	sadd.s32 s9, s24;
	s8 =	sadd.s32 s10, s24;
	s24 =	simm.s32 $0x2  }
0x14: {  	s9 =	sadd.s32 s9, s26;
	s10 =	sadd.s32 s10, s26;
	s26 =	simm.s32 $0x4  }
.LBB2_1:
0x15: {  	s0 =	rddreg [dreg:$0x3]  }
0x16: {  	[spmem:s13], [sflag:s6] =	dma.local [hbm:s0], $0x2800  }
0x17: {  	_ =	swait.ge [sflag:s14], $0x2800  }
0x18: {  	[sflag:s14] =	ssyncset.done $0x0  }
0x19: {  	[sflag:s14] =	ssyncadd.s32 $0xFFFFD800  }
0x1a: {  	[bflag:$0x0] =	sbarrier.arrive $0xFFFF  }
0x1b: {  	[tilespmem:s15], [sflag:$0x5] =	stream.linear.gather [hbm4b:s7+s3], $0x1400, $0x38;
	[tilespmem:$0x1E500] =	vst v63  }
0x1c: {  	_ =	swait.ge [sflag:s14], $0x1400  }
0x1d: {  	[sflag:s14] =	ssyncset.done $0x0  }
0x1e: {  	[sflag:s14] =	ssyncadd.s32 $0xFFFFEC00  }
0x1f: {  	[tilespmem:s16], [sflag:$0x5] =	stream.linear.gather [hbm4b:s8+s3], $0x1400, $0x38;
	[tilespmem:$0x1E500] =	vst v63  }
0x20: {  	_ =	swait.ge [sflag:s14], $0x1400  }
0x21: {  	[sflag:s14] =	ssyncset.done $0x0  }
0x22: {  	[sflag:s14] =	ssyncadd.s32 $0xFFFFEC00  }
0x23: {  	[tilespmem:s18], [sflag:$0x1] =	stream.indirect.gather [hbm4b:s4+s17], $0x80, s15, s17, $0xb8;
	[tilespmem:$0x1E500] =	vst v63  }
0x24: {  	_ = 	snop  }
0x25: {  	[tilespmem:s20], [sflag:$0x2] =	stream.indirect.gather [hbm4b:s4+s17], $0x80, s19, s17, $0xb8;
	[tilespmem:$0x1E500] =	vst v63  }
0x26: {  	_ =	swait.ge [sflag:s21], $0x3E80  }
0x27: {  	[sflag:s21] =	ssyncset.done $0x0  }
0x28: {  	[sflag:s21] =	ssyncadd.s32 $0xFFFFC180  }
0x29: {  	[spmem:s2] =	stream.indirect.scatter.add.f32 [tilespmem:s18], [sflag:$0x3], $0x80, s16, s17, $0xb8;
	[tilespmem:$0x1E500] =	vst v63  }
0x2a: {  	_ =	swait.ge [sflag:s22], $0x3E80  }
0x2b: {  	[sflag:s22] =	ssyncset.done $0x0  }
0x2c: {  	[sflag:s22] =	ssyncadd.s32 $0xFFFFC180  }
0x2d: {  	[tilespmem:s18], [sflag:$0x1] =	stream.indirect.gather [hbm4b:s4+s17], $0x80, s23, s17, $0xb8;
	[tilespmem:$0x1E500] =	vst v63  }
0x2e: {  	_ =	swait.ge [sflag:s24], $0x3E80  }
0x2f: {  	[sflag:s24] =	ssyncset.done $0x0  }
0x30: {  	[sflag:s24] =	ssyncadd.s32 $0xFFFFC180  }
0x31: {  	[spmem:s2] =	stream.indirect.scatter.add.f32 [tilespmem:s20], [sflag:$0x4], $0x80, s25, s17, $0xb8;
	[tilespmem:$0x1E500] =	vst v63  }
0x32: {  	_ =	swait.ge [sflag:s26], $0x3E80  }
0x33: {  	[sflag:s26] =	ssyncset.done $0x0  }
0x34: {  	s5 =	simm.s32 $0x14180;
	[sflag:s26] =	ssyncadd.s32 $0xFFFFC180  }
0x35: {  	[tilespmem:s20], [sflag:$0x2] =	stream.indirect.gather [hbm4b:s4+s17], $0x80, s5, s17, $0xb8;
	[tilespmem:$0x1E500] =	vst v63  }
0x36: {  	_ =	swait.ge [sflag:s21], $0x3E80  }
0x37: {  	[sflag:s21] =	ssyncset.done $0x0  }
0x38: {  	s1 =	simm.s32 $0x15500;
	[sflag:s21] =	ssyncadd.s32 $0xFFFFC180  }
0x39: {  	[spmem:s2] =	stream.indirect.scatter.add.f32 [tilespmem:s18], [sflag:$0x3], $0x80, s1, s17, $0xb8;
	[tilespmem:$0x1E500] =	vst v63  }
0x3a: {  	_ =	swait.ge [sflag:s22], $0x3E80  }
0x3b: {  	[sflag:s22] =	ssyncset.done $0x0  }
0x3c: {  	s5 =	simm.s32 $0x14200;
	[sflag:s22] =	ssyncadd.s32 $0xFFFFC180  }
0x3d: {  	[tilespmem:s18], [sflag:$0x1] =	stream.indirect.gather [hbm4b:s4+s17], $0x80, s5, s17, $0xb8;
	[tilespmem:$0x1E500] =	vst v63  }
0x3e: {  	_ =	swait.ge [sflag:s24], $0x3E80  }
0x3f: {  	[sflag:s24] =	ssyncset.done $0x0  }
0x40: {  	s0 =	simm.s32 $0xFFFFBC00;
	s1 =	simm.s32 $0x15580;
	[sflag:s24] =	ssyncadd.s32 $0xFFFFC180  }
.LBB2_2:
0x41: {  	[spmem:s2] =	stream.indirect.scatter.add.f32 [tilespmem:s20], [sflag:$0x4], $0x80, s1, s17, $0xb8;
	[tilespmem:$0x1E500] =	vst v63  }
0x42: {  	s1 =	smov.u32 s0  }
0x43: {  	p0 =	sne.s32 s0, $0xFFFFFC00;
	s0 =	sadd.s32 $0x400, s0;
	_ =	swait.ge [sflag:s26], $0x3E80  }
0x44: {  	s1 =	sshra.s32 s1, $0x2;
	[sflag:s26] =	ssyncset.done $0x0  }
0x45: {  	s5 =	sadd.s32 $0x15380, s1;
	[sflag:s26] =	ssyncadd.s32 $0xFFFFC180  }
0x46: {  	[tilespmem:s20], [sflag:$0x2] =	stream.indirect.gather [hbm4b:s4+s17], $0x80, s5, s17, $0xb8;
	[tilespmem:$0x1E500] =	vst v63  }
0x47: {  	_ =	swait.ge [sflag:s21], $0x3E80  }
0x48: {  	[sflag:s21] =	ssyncset.done $0x0  }
0x49: {  	s5 =	sadd.s32 $0x16700, s1;
	[sflag:s21] =	ssyncadd.s32 $0xFFFFC180  }
0x4a: {  	[spmem:s2] =	stream.indirect.scatter.add.f32 [tilespmem:s18], [sflag:$0x3], $0x80, s5, s17, $0xb8;
	[tilespmem:$0x1E500] =	vst v63  }
0x4b: {  	_ =	swait.ge [sflag:s22], $0x3E80  }
0x4c: {  	[sflag:s22] =	ssyncset.done $0x0  }
.Ltmp0:
0x4d: {  	s5 =	sadd.s32 $0x15400, s1;
	[sflag:s22] =	ssyncadd.s32 $0xFFFFC180;
	(pc) =	sbr.rel @p0 .LBB2_2-.Ltmp0, $4  }
0x4e: {  	[tilespmem:s18], [sflag:$0x1] =	stream.indirect.gather [hbm4b:s4+s17], $0x80, s5, s17, $0xb8;
	[tilespmem:$0x1E500] =	vst v63  }
0x4f: {  	_ =	swait.ge [sflag:s24], $0x3E80  }
0x50: {  	[sflag:s24] =	ssyncset.done $0x0  }
0x51: {  	s1 =	sadd.s32 $0x16780, s1;
	[sflag:s24] =	ssyncadd.s32 $0xFFFFC180  }
0x52: {  	[spmem:s2] =	stream.indirect.scatter.add.f32 [tilespmem:s20], [sflag:$0x4], $0x80, s1, s17, $0xb8;
	[tilespmem:$0x1E500] =	vst v63  }
0x53: {  	_ =	swait.ge [sflag:s26], $0x3E80  }
0x54: {  	[sflag:s26] =	ssyncset.done $0x0  }
0x55: {  	[sflag:s26] =	ssyncadd.s32 $0xFFFFC180  }
0x56: {  	[tilespmem:s20], [sflag:$0x2] =	stream.indirect.gather [hbm4b:s4+s17], $0x80, s28, s17, $0xb8;
	[tilespmem:$0x1E500] =	vst v63  }
0x57: {  	_ =	swait.ge [sflag:s21], $0x3E80  }
0x58: {  	[sflag:s21] =	ssyncset.done $0x0  }
0x59: {  	[sflag:s21] =	ssyncadd.s32 $0xFFFFC180  }
0x5a: {  	[spmem:s2] =	stream.indirect.scatter.add.f32 [tilespmem:s18], [sflag:$0x3], $0x80, s29, s17, $0xb8;
	[tilespmem:$0x1E500] =	vst v63  }
0x5b: {  	_ =	swait.ge [sflag:s24], $0x3E80  }
0x5c: {  	[sflag:s24] =	ssyncset.done $0x0  }
0x5d: {  	[sflag:s24] =	ssyncadd.s32 $0xFFFFC180  }
0x5e: {  	[spmem:s2] =	stream.indirect.scatter.add.f32 [tilespmem:s20], [sflag:$0x4], $0x80, s30, s17, $0xb8;
	[tilespmem:$0x1E500] =	vst v63  }
0x5f: {  	_ =	swait.ge [sflag:s22], $0x3E80  }
0x60: {  	[sflag:s22] =	ssyncset.done $0x0  }
0x61: {  	[sflag:s22] =	ssyncadd.s32 $0xFFFFC180  }
0x62: {  	_ =	swait.ge [sflag:s26], $0x3E80  }
0x63: {  	[sflag:s26] =	ssyncset.done $0x0  }
0x64: {  	[sflag:s26] =	ssyncadd.s32 $0xFFFFC180  }
0x65: {  	[tilespmem:s15], [sflag:$0x5] =	stream.linear.gather [hbm4b:s9+s3], $0x1400, $0x38;
	[tilespmem:$0x1E500] =	vst v63  }
0x66: {  	_ =	swait.ge [sflag:s14], $0x1400  }
0x67: {  	[sflag:s14] =	ssyncset.done $0x0  }
0x68: {  	[sflag:s14] =	ssyncadd.s32 $0xFFFFEC00  }
0x69: {  	[tilespmem:s16], [sflag:$0x5] =	stream.linear.gather [hbm4b:s10+s3], $0x1400, $0x38;
	[tilespmem:$0x1E500] =	vst v63  }
0x6a: {  	_ =	swait.ge [sflag:s14], $0x1400  }
0x6b: {  	[sflag:s14] =	ssyncset.done $0x0  }
0x6c: {  	[sflag:s14] =	ssyncadd.s32 $0xFFFFEC00  }
0x6d: {  	[tilespmem:s18], [sflag:$0x1] =	stream.indirect.gather [hbm4b:s4+s17], $0x80, s15, s17, $0xb8;
	[tilespmem:$0x1E500] =	vst v63  }
0x6e: {  	_ = 	snop  }
0x6f: {  	[tilespmem:s20], [sflag:$0x2] =	stream.indirect.gather [hbm4b:s4+s17], $0x80, s19, s17, $0xb8;
	[tilespmem:$0x1E500] =	vst v63  }
0x70: {  	_ =	swait.ge [sflag:s21], $0x3E80  }
0x71: {  	[sflag:s21] =	ssyncset.done $0x0  }
0x72: {  	[sflag:s21] =	ssyncadd.s32 $0xFFFFC180  }
0x73: {  	[spmem:s2] =	stream.indirect.scatter.add.f32 [tilespmem:s18], [sflag:$0x3], $0x80, s16, s17, $0xb8;
	[tilespmem:$0x1E500] =	vst v63  }
0x74: {  	_ =	swait.ge [sflag:s22], $0x3E80  }
0x75: {  	[sflag:s22] =	ssyncset.done $0x0  }
0x76: {  	[sflag:s22] =	ssyncadd.s32 $0xFFFFC180  }
0x77: {  	[tilespmem:s18], [sflag:$0x1] =	stream.indirect.gather [hbm4b:s4+s17], $0x80, s23, s17, $0xb8;
	[tilespmem:$0x1E500] =	vst v63  }
0x78: {  	_ =	swait.ge [sflag:s24], $0x3E80  }
0x79: {  	[sflag:s24] =	ssyncset.done $0x0  }
0x7a: {  	[sflag:s24] =	ssyncadd.s32 $0xFFFFC180  }
0x7b: {  	[spmem:s2] =	stream.indirect.scatter.add.f32 [tilespmem:s20], [sflag:$0x4], $0x80, s25, s17, $0xb8;
	[tilespmem:$0x1E500] =	vst v63  }
0x7c: {  	_ =	swait.ge [sflag:s26], $0x3E80  }
0x7d: {  	[sflag:s26] =	ssyncset.done $0x0  }
0x7e: {  	s0 =	simm.s32 $0x14180;
	[sflag:s26] =	ssyncadd.s32 $0xFFFFC180  }
0x7f: {  	[tilespmem:s20], [sflag:$0x2] =	stream.indirect.gather [hbm4b:s4+s17], $0x80, s0, s17, $0xb8;
	[tilespmem:$0x1E500] =	vst v63  }
0x80: {  	_ =	swait.ge [sflag:s21], $0x3E80  }
0x81: {  	[sflag:s21] =	ssyncset.done $0x0  }
0x82: {  	s1 =	simm.s32 $0x15500;
	[sflag:s21] =	ssyncadd.s32 $0xFFFFC180  }
0x83: {  	[spmem:s2] =	stream.indirect.scatter.add.f32 [tilespmem:s18], [sflag:$0x3], $0x80, s1, s17, $0xb8;
	[tilespmem:$0x1E500] =	vst v63  }
0x84: {  	_ =	swait.ge [sflag:s22], $0x3E80  }
0x85: {  	[sflag:s22] =	ssyncset.done $0x0  }
0x86: {  	s5 =	simm.s32 $0x14200;
	[sflag:s22] =	ssyncadd.s32 $0xFFFFC180  }
0x87: {  	[tilespmem:s18], [sflag:$0x1] =	stream.indirect.gather [hbm4b:s4+s17], $0x80, s5, s17, $0xb8;
	[tilespmem:$0x1E500] =	vst v63  }
0x88: {  	_ =	swait.ge [sflag:s24], $0x3E80  }
0x89: {  	[sflag:s24] =	ssyncset.done $0x0  }
0x8a: {  	s0 =	simm.s32 $0xFFFFBC00;
	s1 =	simm.s32 $0x15580;
	[sflag:s24] =	ssyncadd.s32 $0xFFFFC180  }
.LBB2_4:
0x8b: {  	[spmem:s2] =	stream.indirect.scatter.add.f32 [tilespmem:s20], [sflag:$0x4], $0x80, s1, s17, $0xb8;
	[tilespmem:$0x1E500] =	vst v63  }
0x8c: {  	s1 =	smov.u32 s0  }
0x8d: {  	p0 =	sne.s32 s0, $0xFFFFFC00;
	s0 =	sadd.s32 $0x400, s0;
	_ =	swait.ge [sflag:s26], $0x3E80  }
0x8e: {  	s1 =	sshra.s32 s1, $0x2;
	[sflag:s26] =	ssyncset.done $0x0  }
0x8f: {  	s5 =	sadd.s32 $0x15380, s1;
	[sflag:s26] =	ssyncadd.s32 $0xFFFFC180  }
0x90: {  	[tilespmem:s20], [sflag:$0x2] =	stream.indirect.gather [hbm4b:s4+s17], $0x80, s5, s17, $0xb8;
	[tilespmem:$0x1E500] =	vst v63  }
0x91: {  	_ =	swait.ge [sflag:s21], $0x3E80  }
0x92: {  	[sflag:s21] =	ssyncset.done $0x0  }
0x93: {  	s5 =	sadd.s32 $0x16700, s1;
	[sflag:s21] =	ssyncadd.s32 $0xFFFFC180  }
0x94: {  	[spmem:s2] =	stream.indirect.scatter.add.f32 [tilespmem:s18], [sflag:$0x3], $0x80, s5, s17, $0xb8;
	[tilespmem:$0x1E500] =	vst v63  }
0x95: {  	_ =	swait.ge [sflag:s22], $0x3E80  }
0x96: {  	[sflag:s22] =	ssyncset.done $0x0  }
.Ltmp1:
0x97: {  	s5 =	sadd.s32 $0x15400, s1;
	[sflag:s22] =	ssyncadd.s32 $0xFFFFC180;
	(pc) =	sbr.rel @p0 .LBB2_4-.Ltmp1, $4  }
0x98: {  	[tilespmem:s18], [sflag:$0x1] =	stream.indirect.gather [hbm4b:s4+s17], $0x80, s5, s17, $0xb8;
	[tilespmem:$0x1E500] =	vst v63  }
0x99: {  	_ =	swait.ge [sflag:s24], $0x3E80  }
0x9a: {  	[sflag:s24] =	ssyncset.done $0x0  }
0x9b: {  	s1 =	sadd.s32 $0x16780, s1;
	[sflag:s24] =	ssyncadd.s32 $0xFFFFC180  }
0x9c: {  	[spmem:s2] =	stream.indirect.scatter.add.f32 [tilespmem:s20], [sflag:$0x4], $0x80, s1, s17, $0xb8;
	[tilespmem:$0x1E500] =	vst v63  }
0x9d: {  	_ =	swait.ge [sflag:s26], $0x3E80  }
0x9e: {  	[sflag:s26] =	ssyncset.done $0x0  }
0x9f: {  	[sflag:s26] =	ssyncadd.s32 $0xFFFFC180  }
0xa0: {  	[tilespmem:s20], [sflag:$0x2] =	stream.indirect.gather [hbm4b:s4+s17], $0x80, s28, s17, $0xb8;
	[tilespmem:$0x1E500] =	vst v63  }
0xa1: {  	_ =	swait.ge [sflag:s21], $0x3E80  }
0xa2: {  	[sflag:s21] =	ssyncset.done $0x0  }
0xa3: {  	[sflag:s21] =	ssyncadd.s32 $0xFFFFC180  }
0xa4: {  	[spmem:s2] =	stream.indirect.scatter.add.f32 [tilespmem:s18], [sflag:$0x3], $0x80, s29, s17, $0xb8;
	[tilespmem:$0x1E500] =	vst v63  }
0xa5: {  	_ =	swait.ge [sflag:s24], $0x3E80  }
0xa6: {  	[sflag:s24] =	ssyncset.done $0x0  }
0xa7: {  	[sflag:s24] =	ssyncadd.s32 $0xFFFFC180  }
0xa8: {  	[spmem:s2] =	stream.indirect.scatter.add.f32 [tilespmem:s20], [sflag:$0x4], $0x80, s30, s17, $0xb8;
	[tilespmem:$0x1E500] =	vst v63  }
0xa9: {  	_ =	swait.ge [sflag:s22], $0x3E80  }
0xaa: {  	[sflag:s22] =	ssyncset.done $0x0  }
0xab: {  	[sflag:s22] =	ssyncadd.s32 $0xFFFFC180  }
0xac: {  	_ =	swait.ge [sflag:s26], $0x3E80  }
0xad: {  	s31 =	sadd.s32 $0x1, s31;
	[sflag:s26] =	ssyncset.done $0x0  }
0xae: {  	p0 =	sne.s32 s31, s12;
	[sflag:s26] =	ssyncadd.s32 $0xFFFFC180  }
.Ltmp2:
0xaf: {  	[bflag:$0x0] =	sbarrier.arrive $0xFFFF;
	(pc) =	sbr.rel @p0 .LBB2_1-.Ltmp2, $4  }
0xb0: {  	[hbm:s11], [sflag:s6] =	dma.local [spmem:s13], $0x2800  }
0xb1: {  	_ =	swait.ge [sflag:s14], $0x2800  }
0xb2: {  	[sflag:s14] =	ssyncset.done $0x0  }
0xb3: {  	[sflag:s14] =	ssyncadd.s32 $0xFFFFD800  }
0xb4: {  	_ =	sfence.sel $0x180000  }
0xb5: {  	[bflag:$0x0] =	sbarrier.arrive $0xFFFF  }
0xb6: {  	_ =	strace $0x9000004A  }
0xb7: {  	s0 =	stileid.u32;
	[bflag:$0x2] =	sbarrier.arrive $0xFFFF  }
0xb8: {  	p0 =	sne.s32 s0, $0x0;
	s0 =	rddreg [dreg:$0x2]  }
0xb9: {  	s0 =	sadd.s32 @!p0 $0x100000, s0  }
0xba: {  	[sflag:s0] =	ssyncadd.tile.s32 @!p0 $0x1;
	_ =	shalt  }
.Lfunc_end2:
_tile_overlayer_lowered:
.L_overlay_start_2:
0xbb: {  	(tag) =	ssettag $0x2  }
0xbc: {  	s0 =	rddreg [dreg:$0x0];
	s2 =	stileid.u32  }
0xbd: {  	s1 =	rddreg [dreg:$0x1];
	p0 =	sne.s32 s2, $0x0  }
0xbe: {  	s3 =	rddreg [dreg:$0x2];
	[bflag:$0x3] =	sbarrier.arrive $0xFFFF;
	s2 =	simm.s32 @!p0 $0x1C05  }
0xbf: {  	[timem:s3], [sflag:s2] =	dma.local @!p0 [hbm:s0], s1  }
0xc0: {  	s0 =	simm.s32 @!p0 $0x5  }
0xc1: {  	_ =	swait.ge @!p0 [sflag:s0], s1  }
0xc2: {  	s1 =	ssub.s32 @!p0 $0x0, s1;
	[sflag:s0] =	ssyncset.done @!p0 $0x0  }
0xc3: {  	[sflag:s0] =	ssyncadd.s32 @!p0 s1  }
0xc4: {  	[bflag:$0x3] =	sbarrier.arrive $0xFFFF  }
0xc5: {  	_ =	shalt  }

// kernel: kernel.14.cloned.1.call-start
scs
__scs_entry_jumppad:
0x0: {  	(pc) =	sbr.rel $0x88, $3  }
0x1: {  	(tag) =	ssettag $0x0;
	lr =	simm.s32 $0x1  }
0x2: {  	[smem:$0x3F97] =	sst lr;
	_ =	strace $0xD0000000  }
0x3: {  	_ = 	snop  }
0x4: {  	_ = 	snop  }
0x5: {  	_ = 	snop  }
0x6: {  	_ = 	snop  }
0x7: {  	_ = 	snop  }
__scs_overlays_trampoline_lowered:
0x8: {  	[smem:$0x3FA6] =	sst s0  }
0x9: {  	[smem:$0x3FA7] =	sst s1  }
0xa: {  	[smem:$0x3FA8] =	sst s2  }
0xb: {  	[smem:$0x3FA9] =	sst s3  }
0xc: {  	[smem:$0x3FAA] =	sst s4  }
0xd: {  	[smem:$0x3FAB] =	sst s5  }
0xe: {  	[smem:$0x3FAC] =	sst s6  }
0xf: {  	[smem:$0x3FAD] =	sst s7  }
0x10: {  	[smem:$0x3FAE] =	sst s8  }
0x11: {  	[smem:$0x3FAF] =	sst s9;
	s0 =	simm.s32 @!p0 $0x0  }
0x12: {  	s1 =	sld [smem:$0x3F95];
	s0 =	simm.s32 @p0 $0x1  }
0x13: {  	[smem:$0x3FB0] =	sst s0;
	s0 =	simm.s32 @!p1 $0x0  }
0x14: {  	s2 =	sld [smem:$0x3F94];
	s0 =	simm.s32 @p1 $0x1  }
0x15: {  	[smem:$0x3FB1] =	sst s0;
	s0 =	simm.s32 @!p2 $0x0  }
0x16: {  	s3 =	sld [smem:$0x3FDB];
	s0 =	simm.s32 @p2 $0x1  }
0x17: {  	s4 =	simm.s32 $0x1BF5;
	[smem:$0x3FB3] =	sst s0  }
0x18: {  	s0 =	sld [smem:$0x3F96];
	_ =	swait.ge [sflag:s4], $0x0  }
0x19: {  	s7 =	sld [smem:$0x3F97]  }
0x1a: {  	s8 =	sadd.s32 $0xFFFFE003, lr  }
0x1b: {  	s9 =	sadd.s32 $0xFFFFFEF7, lr;
	s5 =	simm.s32 $0xFFFFFFFF;
	p2 =	slt.u32 s8, $0xFFFFF086  }
0x1c: {  	p1 =	slt.u32 s9, $0xF7A;
	s5 =	simm.s32 @!p2 $0x0  }
0x1d: {  	s5 =	simm.s32 @p1 $0x1;
	p0 =	seq.s32 s7, s2  }
0x1e: {  	s7 =	smul.u32 @!p0 $0xF7A, s2;
	p2 =	seq.s32 @!p0 s5, $0x0  }
0x1f: {  	s9 =	smul.u32 $0xF7A, s1;
	s8 =	simm.s32 @!p0 $0x1BF5;
	p2 =	por !p2, p0  }
0x20: {  	[sflag:s8] =	ssyncset.s32 @!p0 $0xFFFFF086;
	s6 =	sadd.s32 @!p0 s3, s7;
	s7 =	simm.s32 @!p0 $0x108  }
0x21: {  	s3 =	sadd.s32 s3, s9;
	s6 =	sadd.s32 @!p0 $0x88, s6;
	s7 =	simm.s32 @p2 $0x1082  }
0x22: {  	[simem:s7], [sflag:s8] =	dma.local @!p0 [hbm:s6], $0xF7A  }
0x23: {  	s9 =	sor.u32 $0xD0000000, s2;
	s6 =	simm.s32 $0x108;
	_ =	swait.ge @!p0 [sflag:s8], $0x0  }
0x24: {  	s3 =	sadd.s32 $0x88, s3;
	s6 =	simm.s32 @!p1 $0x1082;
	[sflag:s4] =	ssyncset.s32 $0xFFFFF086  }
0x25: {  	[simem:s6], [sflag:s4] =	dma.local [hbm:s3], $0xF7A  }
0x26: {  	[smem:$0x3F97] =	sst s1;
	(tag) =	ssettag s2;
	_ =	strace s9  }
0x27: {  	s1 =	sld [smem:$0x3FA7]  }
0x28: {  	s2 =	sld [smem:$0x3FA8]  }
0x29: {  	s4 =	sld [smem:$0x3FAA]  }
0x2a: {  	p0 =	seq.s32 s5, $0x0;
	s5 =	sld [smem:$0x3FAB]  }
0x2b: {  	s6 =	sld [smem:$0x3FAC]  }
0x2c: {  	s7 =	sld [smem:$0x3FAD]  }
0x2d: {  	s3 =	simm.s32 $0x108;
	s8 =	sld [smem:$0x3FAE]  }
0x2e: {  	s3 =	simm.s32 @!p0 $0x1082;
	s9 =	sld [smem:$0x3FAF]  }
0x2f: {  	lr =	sadd.s32 s0, s3;
	s0 =	sld [smem:$0x3FA6]  }
0x30: {  	s3 =	sld [smem:$0x3FA9]  }
0x31: {  	[smem:$0x3FB2] =	sst s10  }
0x32: {  	s10 =	sld [smem:$0x3FB0];
	_ =	sdelay $0x3  }
0x33: {  	p0 =	seq.s32 s10, $0x1;
	s10 =	sld [smem:$0x3FB2];
	_ =	sdelay $0x3  }
0x34: {  	[smem:$0x3FB2] =	sst s10  }
0x35: {  	s10 =	sld [smem:$0x3FB1];
	_ =	sdelay $0x3  }
0x36: {  	p1 =	seq.s32 s10, $0x1;
	s10 =	sld [smem:$0x3FB2];
	_ =	sdelay $0x3  }
0x37: {  	[smem:$0x3FB2] =	sst s10  }
0x38: {  	s10 =	sld [smem:$0x3FB3]  }
0x39: {  	_ = 	snop;
	(pc) =	sbr.ind lr, $3  }
0x3a: {  	_ = 	snop  }
0x3b: {  	_ = 	snop  }
0x3c: {  	p2 =	seq.s32 s10, $0x1;
	s10 =	sld [smem:$0x3FB2]  }
0x3d: {  	_ =	shalt  }
0x3e: {  	_ =	shalt  }
0x3f: {  	_ =	shalt  }
0x40: {  	_ =	shalt  }
0x41: {  	_ =	shalt  }
0x42: {  	_ =	shalt  }
0x43: {  	_ =	shalt  }
0x44: {  	_ =	shalt  }
0x45: {  	_ =	shalt  }
0x46: {  	_ =	shalt  }
0x47: {  	_ =	shalt  }
0x48: {  	_ =	shalt  }
0x49: {  	_ =	shalt  }
0x4a: {  	_ =	shalt  }
0x4b: {  	_ =	shalt  }
0x4c: {  	_ =	shalt  }
0x4d: {  	_ =	shalt  }
0x4e: {  	_ =	shalt  }
0x4f: {  	_ =	shalt  }
0x50: {  	_ =	shalt  }
0x51: {  	_ =	shalt  }
0x52: {  	_ =	shalt  }
0x53: {  	_ =	shalt  }
0x54: {  	_ =	shalt  }
0x55: {  	_ =	shalt  }
0x56: {  	_ =	shalt  }
0x57: {  	_ =	shalt  }
0x58: {  	_ =	shalt  }
0x59: {  	_ =	shalt  }
0x5a: {  	_ =	shalt  }
0x5b: {  	_ =	shalt  }
0x5c: {  	_ =	shalt  }
0x5d: {  	_ =	shalt  }
0x5e: {  	_ =	shalt  }
0x5f: {  	_ =	shalt  }
0x60: {  	_ =	shalt  }
0x61: {  	_ =	shalt  }
0x62: {  	_ =	shalt  }
0x63: {  	_ =	shalt  }
0x64: {  	_ =	shalt  }
0x65: {  	_ =	shalt  }
0x66: {  	_ =	shalt  }
0x67: {  	_ =	shalt  }
0x68: {  	_ =	shalt  }
0x69: {  	_ =	shalt  }
0x6a: {  	_ =	shalt  }
0x6b: {  	_ =	shalt  }
0x6c: {  	_ =	shalt  }
0x6d: {  	_ =	shalt  }
0x6e: {  	_ =	shalt  }
0x6f: {  	_ =	shalt  }
0x70: {  	_ =	shalt  }
0x71: {  	_ =	shalt  }
0x72: {  	_ =	shalt  }
0x73: {  	_ =	shalt  }
0x74: {  	_ =	shalt  }
0x75: {  	_ =	shalt  }
0x76: {  	_ =	shalt  }
0x77: {  	_ =	shalt  }
0x78: {  	_ =	shalt  }
0x79: {  	_ =	shalt  }
0x7a: {  	_ =	shalt  }
0x7b: {  	_ =	shalt  }
0x7c: {  	_ =	shalt  }
0x7d: {  	_ =	shalt  }
0x7e: {  	_ =	shalt  }
0x7f: {  	_ =	shalt  }
0x80: {  	_ =	shalt  }
0x81: {  	_ =	shalt  }
0x82: {  	_ =	shalt  }
0x83: {  	_ =	shalt  }
0x84: {  	_ =	shalt  }
0x85: {  	_ =	shalt  }
0x86: {  	_ =	shalt  }
0x87: {  	_ =	shalt  }
.Lfunc_end0:
.L_simem_size_0:
called_computation.2_lowered:
.L_overlay_start_0:
0x88: {  	s2 =	sld [smem:$0x3FD9]  }
0x89: {  	s3 =	sld [smem:$0x3FFE];
	_ =	sdelay $0x1  }
0x8a: {  	s1 =	srdreg.scid  }
0x8b: {  	s0 =	sand.u32 $0x1, s1  }
0x8c: {  	s16 =	sshll.u32 s0, $0xA;
	s2 =	sadd.s32 s3, s2  }
0x8d: {  	s2 =	sadd.s32 s2, s16  }
0x8e: {  	[smem:$0x3FBE] =	sst s2  }
0x8f: {  	_ = 	snop  }
0x90: {  	(tm) =	ssettm $0x1  }
0x91: {  	s17 =	sld [smem:$0x3FFB];
	_ =	sdelay $0x3  }
0x92: {  	_ =	strace s17  }
0x93: {  	s2 =	sld [smem:$0x3FFC];
	_ =	sdelay $0x3  }
0x94: {  	_ =	strace s2  }
0x95: {  	s2 =	sld [smem:$0x3FFD];
	_ =	sdelay $0x3  }
0x96: {  	_ =	strace s2  }
0x97: {  	_ =	strace $0x8FFFFFFF  }
0x98: {  	s18 =	sld [smem:$0x3FDB];
	_ =	sdelay $0x1  }
0x99: {  	s19 =	simm.s32 $_scs_section_size  }
0x9a: {  	s4 =	simm.s32 $_size__tile_overlayer_lowered;
	s5 =	simm.s32 $_tile_overlayer_lowered  }
0x9b: {  	s22 =	simm.s32 $0x1BFF;
	s21 =	sshll.u32 s5, $0x1;
	s2 =	sadd.s32 s19, s18  }
0x9c: {  	s6 =	simm.s32 $0x0;
	s20 =	sshll.u32 s4, $0x1;
	s4 =	sadd.s32 s21, s2  }
0x9d: {  	[timem:s6], [sflag:s22] =	dma.local [hbm:s4], s20  }
0x9e: {  	_ =	swait.ge [sflag:s22], s20  }
0x9f: {  	s3 =	ssub.s32 $0x0, s20;
	[sflag:s22] =	ssyncset.done $0x0  }
0xa0: {  	[sflag:s22] =	ssyncadd.s32 s3;
	_ =	sdelay $0x1  }
0xa1: {  	s23 =	simm.s32 $0x1B8B  }
0xa2: {  	_ =	swait.ge [sflag:s23], $0x1  }
0xa3: {  	[sflag:s23] =	ssyncset.done $0x0  }
0xa4: {  	s25 =	simm.s32 $0x1B8E;
	s24 =	sld [smem:$0x3FFE];
	[sflag:s23] =	ssyncadd.s32 $0xFFFFFFFF  }
0xa5: {  	s26 =	simm.s32 $execute0_lowered;
	[smem:$0x3FD2] =	sst s25  }
0xa6: {  	s4 =	sshll.u32 s26, $0x1;
	_ =	strace $0x8000004C;
	[dreg:$0x1] =	wrdreg $0xFFFFFFFF  }
0xa7: {  	s28 =	simm.s32 $_size_execute0_lowered;
	s2 =	sadd.s32 s2, s4;
	[dreg:$0x0] =	wrdreg $0x0  }
0xa8: {  	s4 =	sshll.u32 s28, $0x1;
	[dreg:$0x2] =	wrdreg s2  }
0xa9: {  	[dreg:$0x3] =	wrdreg s4  }
0xaa: {  	[dreg:$0x4] =	wrdreg $0xC0  }
0xab: {  	_ =	task [dreg:s6], $0x5FFFF  }
0xac: {  	[dreg:$0x1] =	wrdreg $0xFFFFFFFF  }
0xad: {  	[dreg:$0x0] =	wrdreg $0x60  }
0xae: {  	[dreg:$0x2] =	wrdreg s24  }
0xaf: {  	[dreg:$0x3] =	wrdreg $0x0  }
0xb0: {  	[dreg:$0x4] =	wrdreg $0x9  }
0xb1: {  	_ =	task.clear_ibuf [dreg:s6], $0x5FFFF;
	_ =	strace $0x9000004C  }
0xb2: {  	s29 =	simm.s32 $0x9;
	_ =	strace $0x8000004E  }
0xb3: {  	_ =	swait.ge [sflag:s29], $0x1  }
0xb4: {  	[sflag:s29] =	ssyncadd.s32 $0xFFFFFFFF  }
0xb5: {  	_ =	strace $0x9000004E  }
0xb6: {  	_ =	sfence  }
0xb7: {  	s30 =	sld [smem:$0x0];
	_ =	sdelay $0x2  }
0xb8: {  	s31 =	sshll.u32 s1, $0xD;
	s1 =	sshrl.u32 s1, $0x2  }
0xb9: {  	s3 =	sand.u32 $0x4000, s31;
	s1 =	sadd.s32 s1, s30  }
0xba: {  	s0 =	sor.u32 s3, s0;
	s1 =	sshll.u32 s1, $0x11  }
0xbb: {  	s0 =	sor.u32 s1, s0  }
0xbc: {  	s0 =	sadd.s32 $0x8F2B, s0  }
0xbd: {  	[sflag:s0] =	ssyncadd.remote.s32 $0x1  }
0xbe: {  	_ =	sfence.sel $0xFFFF  }
0xbf: {  	[dreg:$0x0] =	wrdreg $0xFFFFFFFF;
	(pc) =	sbr.abs _section_cstart, $3  }
0xc0: {  	[dreg:$0x1] =	wrdreg $0xFFFFFFFF  }
0xc1: {  	_ =	task.clear_ibuf [dreg:s6], $0x2FFFF;
	_ =	strace $0x9FFFFFFF  }
0xc2: {  	(tm) =	ssettm $0x7FFFFFFF  }
0xc3: {  	_ =	shalt  }
tec
execute0_lowered:
.L_overlay_start_1:
0x0: {  	(tag) =	ssettag $0x1  }
0x1: {  	s0 =	rddreg [dreg:$0x0]  }
0x2: {  	s2 =	rddreg [dreg:$0x1];
	s3 =	simm.s32 $0x0;
	s12 =	stileid.u32  }
0x3: {  	s1 =	srdreg.scid;
	s14 =	simm.s32 $0x5;
	s15 =	simm.s32 $0xA000  }
0x4: {  	s16 =	simm.s32 $0xB400;
	s17 =	simm.s32 $0x7D;
	s18 =	simm.s32 $0xC800  }
0x5: {  	s19 =	simm.s32 $0xA080;
	s20 =	simm.s32 $0xE740;
	s21 =	simm.s32 $0x1  }
0x6: {  	s22 =	simm.s32 $0x3;
	s23 =	simm.s32 $0xA100;
	s28 =	simm.s32 $0xB380  }
0x7: {  	s29 =	simm.s32 $0xC700;
	s30 =	simm.s32 $0xC780;
	s31 =	simm.s32 $0x0  }
0x8: {  	[smem:$0x7FF] =	sst s3;
	s5 =	smul.u32 $0xA000, s12;
	s1 =	sand.u32 $0x1, s1  }
0x9: {  	s4 =	sadd.s32 $0x2000, s0;
	s9 =	sadd.s32 $0xC0800, s0;
	s10 =	sadd.s32 $0xB6800, s0  }
0xa: {  	s24 =	sshll.u32 s12, $0x6;
	_ =	strace $0x8000004D;
	s6 =	smul.u32 $0xA0000, s1  }
0xb: {  	s8 =	sshll.u32 s1, $0x4;
	s1 =	ssub.s32 $0x2, s1;
	s7 =	sshrl.u32 s5, $0x3  }
0xc: {  	s8 =	sor.u32 s12, s8;
	s11 =	sshrl.u32 s1, $0x1;
	s13 =	sadd.s32 s5, s2  }
0xd: {  	s6 =	sadd.s32 s5, s6;
	s8 =	smul.u32 $0x2800, s8;
	s7 =	sadd.s32 s7, s0  }
0xe: {  	s1 =	ssub.s32 s1, s11;
	s13 =	sshrl.u32 s13, $0x3;
	s6 =	sshrl.u32 s6, $0x3  }
0xf: {  	s25 =	sadd.s32 $0x16000, s7;
	s12 =	smax.u32 s1, $0x1;
	s0 =	sadd.s32 s6, s0  }
0x10: {  	s8 =	sshrl.u32 s8, $0x3;
	[dreg:$0x3] =	wrdreg s25;
	s6 =	sor.u32 $0x1C05, s24  }
0x11: {  	s24 =	simm.s32 $0x2;
	s25 =	simm.s32 $0xB480;
	s26 =	sadd.s32 $0x280, s8  }
0x12: {  	s7 =	sadd.s32 s9, s8;
	s8 =	sadd.s32 s10, s8;
	s11 =	sadd.s32 $0x2A000, s0  }
0x13: {  	s9 =	sadd.s32 s9, s26;
	s10 =	sadd.s32 s10, s26;
	s26 =	simm.s32 $0x4  }
.LBB2_1:
0x14: {  	s0 =	rddreg [dreg:$0x3]  }
0x15: {  	[spmem:s13], [sflag:s6] =	dma.local [hbm:s0], $0x1400  }
0x16: {  	_ =	swait.ge [sflag:s14], $0x1400  }
0x17: {  	[sflag:s14] =	ssyncset.done $0x0  }
0x18: {  	[sflag:s14] =	ssyncadd.s32 $0xFFFFEC00  }
0x19: {  	[bflag:$0x0] =	sbarrier.arrive $0xFFFF  }
0x1a: {  	[tilespmem:s15], [sflag:$0x5] =	stream.linear.gather [hbm4b:s7+s3], $0x1400, $0x38;
	[tilespmem:$0x10680] =	vst v63  }
0x1b: {  	_ =	swait.ge [sflag:s14], $0x1400  }
0x1c: {  	[sflag:s14] =	ssyncset.done $0x0  }
0x1d: {  	[sflag:s14] =	ssyncadd.s32 $0xFFFFEC00  }
0x1e: {  	[tilespmem:s16], [sflag:$0x5] =	stream.linear.gather [hbm4b:s8+s3], $0x1400, $0x38;
	[tilespmem:$0x10680] =	vst v63  }
0x1f: {  	_ =	swait.ge [sflag:s14], $0x1400  }
0x20: {  	[sflag:s14] =	ssyncset.done $0x0  }
0x21: {  	[sflag:s14] =	ssyncadd.s32 $0xFFFFEC00  }
0x22: {  	[tilespmem:s18], [sflag:$0x1] =	stream.indirect.gather [hbm4b:s4+s17], $0x40, s15, s17, $0xb8;
	[tilespmem:$0x10680] =	vst v63  }
0x23: {  	_ = 	snop  }
0x24: {  	[tilespmem:s20], [sflag:$0x2] =	stream.indirect.gather [hbm4b:s4+s17], $0x40, s19, s17, $0xb8;
	[tilespmem:$0x10680] =	vst v63  }
0x25: {  	_ =	swait.ge [sflag:s21], $0x1F40  }
0x26: {  	[sflag:s21] =	ssyncset.done $0x0  }
0x27: {  	[sflag:s21] =	ssyncadd.s32 $0xFFFFE0C0  }
0x28: {  	[spmem:s2] =	stream.indirect.scatter.add.f32 [tilespmem:s18], [sflag:$0x3], $0x40, s16, s17, $0xb8;
	[tilespmem:$0x10680] =	vst v63  }
0x29: {  	_ =	swait.ge [sflag:s22], $0x1F40  }
0x2a: {  	[sflag:s22] =	ssyncset.done $0x0  }
0x2b: {  	[sflag:s22] =	ssyncadd.s32 $0xFFFFE0C0  }
0x2c: {  	[tilespmem:s18], [sflag:$0x1] =	stream.indirect.gather [hbm4b:s4+s17], $0x40, s23, s17, $0xb8;
	[tilespmem:$0x10680] =	vst v63  }
0x2d: {  	_ =	swait.ge [sflag:s24], $0x1F40  }
0x2e: {  	[sflag:s24] =	ssyncset.done $0x0  }
0x2f: {  	[sflag:s24] =	ssyncadd.s32 $0xFFFFE0C0  }
0x30: {  	[spmem:s2] =	stream.indirect.scatter.add.f32 [tilespmem:s20], [sflag:$0x4], $0x40, s25, s17, $0xb8;
	[tilespmem:$0x10680] =	vst v63  }
0x31: {  	_ =	swait.ge [sflag:s26], $0x1F40  }
0x32: {  	[sflag:s26] =	ssyncset.done $0x0  }
0x33: {  	s5 =	simm.s32 $0xA180;
	[sflag:s26] =	ssyncadd.s32 $0xFFFFE0C0  }
0x34: {  	[tilespmem:s20], [sflag:$0x2] =	stream.indirect.gather [hbm4b:s4+s17], $0x40, s5, s17, $0xb8;
	[tilespmem:$0x10680] =	vst v63  }
0x35: {  	_ =	swait.ge [sflag:s21], $0x1F40  }
0x36: {  	[sflag:s21] =	ssyncset.done $0x0  }
0x37: {  	s1 =	simm.s32 $0xB500;
	[sflag:s21] =	ssyncadd.s32 $0xFFFFE0C0  }
0x38: {  	[spmem:s2] =	stream.indirect.scatter.add.f32 [tilespmem:s18], [sflag:$0x3], $0x40, s1, s17, $0xb8;
	[tilespmem:$0x10680] =	vst v63  }
0x39: {  	_ =	swait.ge [sflag:s22], $0x1F40  }
0x3a: {  	[sflag:s22] =	ssyncset.done $0x0  }
0x3b: {  	s5 =	simm.s32 $0xA200;
	[sflag:s22] =	ssyncadd.s32 $0xFFFFE0C0  }
0x3c: {  	[tilespmem:s18], [sflag:$0x1] =	stream.indirect.gather [hbm4b:s4+s17], $0x40, s5, s17, $0xb8;
	[tilespmem:$0x10680] =	vst v63  }
0x3d: {  	_ =	swait.ge [sflag:s24], $0x1F40  }
0x3e: {  	[sflag:s24] =	ssyncset.done $0x0  }
0x3f: {  	s0 =	simm.s32 $0xFFFFBC00;
	s1 =	simm.s32 $0xB580;
	[sflag:s24] =	ssyncadd.s32 $0xFFFFE0C0  }
.LBB2_2:
0x40: {  	[spmem:s2] =	stream.indirect.scatter.add.f32 [tilespmem:s20], [sflag:$0x4], $0x40, s1, s17, $0xb8;
	[tilespmem:$0x10680] =	vst v63  }
0x41: {  	s1 =	smov.u32 s0  }
0x42: {  	p0 =	sne.s32 s0, $0xFFFFFC00;
	s0 =	sadd.s32 $0x400, s0;
	_ =	swait.ge [sflag:s26], $0x1F40  }
0x43: {  	s1 =	sshra.s32 s1, $0x2;
	[sflag:s26] =	ssyncset.done $0x0  }
0x44: {  	s5 =	sadd.s32 $0xB380, s1;
	[sflag:s26] =	ssyncadd.s32 $0xFFFFE0C0  }
0x45: {  	[tilespmem:s20], [sflag:$0x2] =	stream.indirect.gather [hbm4b:s4+s17], $0x40, s5, s17, $0xb8;
	[tilespmem:$0x10680] =	vst v63  }
0x46: {  	_ =	swait.ge [sflag:s21], $0x1F40  }
0x47: {  	[sflag:s21] =	ssyncset.done $0x0  }
0x48: {  	s5 =	sadd.s32 $0xC700, s1;
	[sflag:s21] =	ssyncadd.s32 $0xFFFFE0C0  }
0x49: {  	[spmem:s2] =	stream.indirect.scatter.add.f32 [tilespmem:s18], [sflag:$0x3], $0x40, s5, s17, $0xb8;
	[tilespmem:$0x10680] =	vst v63  }
0x4a: {  	_ =	swait.ge [sflag:s22], $0x1F40  }
0x4b: {  	[sflag:s22] =	ssyncset.done $0x0  }
.Ltmp0:
0x4c: {  	s5 =	sadd.s32 $0xB400, s1;
	[sflag:s22] =	ssyncadd.s32 $0xFFFFE0C0;
	(pc) =	sbr.rel @p0 .LBB2_2-.Ltmp0, $4  }
0x4d: {  	[tilespmem:s18], [sflag:$0x1] =	stream.indirect.gather [hbm4b:s4+s17], $0x40, s5, s17, $0xb8;
	[tilespmem:$0x10680] =	vst v63  }
0x4e: {  	_ =	swait.ge [sflag:s24], $0x1F40  }
0x4f: {  	[sflag:s24] =	ssyncset.done $0x0  }
0x50: {  	s1 =	sadd.s32 $0xC780, s1;
	[sflag:s24] =	ssyncadd.s32 $0xFFFFE0C0  }
0x51: {  	[spmem:s2] =	stream.indirect.scatter.add.f32 [tilespmem:s20], [sflag:$0x4], $0x40, s1, s17, $0xb8;
	[tilespmem:$0x10680] =	vst v63  }
0x52: {  	_ =	swait.ge [sflag:s26], $0x1F40  }
0x53: {  	[sflag:s26] =	ssyncset.done $0x0  }
0x54: {  	[sflag:s26] =	ssyncadd.s32 $0xFFFFE0C0  }
0x55: {  	[tilespmem:s20], [sflag:$0x2] =	stream.indirect.gather [hbm4b:s4+s17], $0x40, s28, s17, $0xb8;
	[tilespmem:$0x10680] =	vst v63  }
0x56: {  	_ =	swait.ge [sflag:s21], $0x1F40  }
0x57: {  	[sflag:s21] =	ssyncset.done $0x0  }
0x58: {  	[sflag:s21] =	ssyncadd.s32 $0xFFFFE0C0  }
0x59: {  	[spmem:s2] =	stream.indirect.scatter.add.f32 [tilespmem:s18], [sflag:$0x3], $0x40, s29, s17, $0xb8;
	[tilespmem:$0x10680] =	vst v63  }
0x5a: {  	_ =	swait.ge [sflag:s24], $0x1F40  }
0x5b: {  	[sflag:s24] =	ssyncset.done $0x0  }
0x5c: {  	[sflag:s24] =	ssyncadd.s32 $0xFFFFE0C0  }
0x5d: {  	[spmem:s2] =	stream.indirect.scatter.add.f32 [tilespmem:s20], [sflag:$0x4], $0x40, s30, s17, $0xb8;
	[tilespmem:$0x10680] =	vst v63  }
0x5e: {  	_ =	swait.ge [sflag:s22], $0x1F40  }
0x5f: {  	[sflag:s22] =	ssyncset.done $0x0  }
0x60: {  	[sflag:s22] =	ssyncadd.s32 $0xFFFFE0C0  }
0x61: {  	_ =	swait.ge [sflag:s26], $0x1F40  }
0x62: {  	[sflag:s26] =	ssyncset.done $0x0  }
0x63: {  	[sflag:s26] =	ssyncadd.s32 $0xFFFFE0C0  }
0x64: {  	[tilespmem:s15], [sflag:$0x5] =	stream.linear.gather [hbm4b:s9+s3], $0x1400, $0x38;
	[tilespmem:$0x10680] =	vst v63  }
0x65: {  	_ =	swait.ge [sflag:s14], $0x1400  }
0x66: {  	[sflag:s14] =	ssyncset.done $0x0  }
0x67: {  	[sflag:s14] =	ssyncadd.s32 $0xFFFFEC00  }
0x68: {  	[tilespmem:s16], [sflag:$0x5] =	stream.linear.gather [hbm4b:s10+s3], $0x1400, $0x38;
	[tilespmem:$0x10680] =	vst v63  }
0x69: {  	_ =	swait.ge [sflag:s14], $0x1400  }
0x6a: {  	[sflag:s14] =	ssyncset.done $0x0  }
0x6b: {  	[sflag:s14] =	ssyncadd.s32 $0xFFFFEC00  }
0x6c: {  	[tilespmem:s18], [sflag:$0x1] =	stream.indirect.gather [hbm4b:s4+s17], $0x40, s15, s17, $0xb8;
	[tilespmem:$0x10680] =	vst v63  }
0x6d: {  	_ = 	snop  }
0x6e: {  	[tilespmem:s20], [sflag:$0x2] =	stream.indirect.gather [hbm4b:s4+s17], $0x40, s19, s17, $0xb8;
	[tilespmem:$0x10680] =	vst v63  }
0x6f: {  	_ =	swait.ge [sflag:s21], $0x1F40  }
0x70: {  	[sflag:s21] =	ssyncset.done $0x0  }
0x71: {  	[sflag:s21] =	ssyncadd.s32 $0xFFFFE0C0  }
0x72: {  	[spmem:s2] =	stream.indirect.scatter.add.f32 [tilespmem:s18], [sflag:$0x3], $0x40, s16, s17, $0xb8;
	[tilespmem:$0x10680] =	vst v63  }
0x73: {  	_ =	swait.ge [sflag:s22], $0x1F40  }
0x74: {  	[sflag:s22] =	ssyncset.done $0x0  }
0x75: {  	[sflag:s22] =	ssyncadd.s32 $0xFFFFE0C0  }
0x76: {  	[tilespmem:s18], [sflag:$0x1] =	stream.indirect.gather [hbm4b:s4+s17], $0x40, s23, s17, $0xb8;
	[tilespmem:$0x10680] =	vst v63  }
0x77: {  	_ =	swait.ge [sflag:s24], $0x1F40  }
0x78: {  	[sflag:s24] =	ssyncset.done $0x0  }
0x79: {  	[sflag:s24] =	ssyncadd.s32 $0xFFFFE0C0  }
0x7a: {  	[spmem:s2] =	stream.indirect.scatter.add.f32 [tilespmem:s20], [sflag:$0x4], $0x40, s25, s17, $0xb8;
	[tilespmem:$0x10680] =	vst v63  }
0x7b: {  	_ =	swait.ge [sflag:s26], $0x1F40  }
0x7c: {  	[sflag:s26] =	ssyncset.done $0x0  }
0x7d: {  	s0 =	simm.s32 $0xA180;
	[sflag:s26] =	ssyncadd.s32 $0xFFFFE0C0  }
0x7e: {  	[tilespmem:s20], [sflag:$0x2] =	stream.indirect.gather [hbm4b:s4+s17], $0x40, s0, s17, $0xb8;
	[tilespmem:$0x10680] =	vst v63  }
0x7f: {  	_ =	swait.ge [sflag:s21], $0x1F40  }
0x80: {  	[sflag:s21] =	ssyncset.done $0x0  }
0x81: {  	s1 =	simm.s32 $0xB500;
	[sflag:s21] =	ssyncadd.s32 $0xFFFFE0C0  }
0x82: {  	[spmem:s2] =	stream.indirect.scatter.add.f32 [tilespmem:s18], [sflag:$0x3], $0x40, s1, s17, $0xb8;
	[tilespmem:$0x10680] =	vst v63  }
0x83: {  	_ =	swait.ge [sflag:s22], $0x1F40  }
0x84: {  	[sflag:s22] =	ssyncset.done $0x0  }
0x85: {  	s5 =	simm.s32 $0xA200;
	[sflag:s22] =	ssyncadd.s32 $0xFFFFE0C0  }
0x86: {  	[tilespmem:s18], [sflag:$0x1] =	stream.indirect.gather [hbm4b:s4+s17], $0x40, s5, s17, $0xb8;
	[tilespmem:$0x10680] =	vst v63  }
0x87: {  	_ =	swait.ge [sflag:s24], $0x1F40  }
0x88: {  	[sflag:s24] =	ssyncset.done $0x0  }
0x89: {  	s0 =	simm.s32 $0xFFFFBC00;
	s1 =	simm.s32 $0xB580;
	[sflag:s24] =	ssyncadd.s32 $0xFFFFE0C0  }
.LBB2_4:
0x8a: {  	[spmem:s2] =	stream.indirect.scatter.add.f32 [tilespmem:s20], [sflag:$0x4], $0x40, s1, s17, $0xb8;
	[tilespmem:$0x10680] =	vst v63  }
0x8b: {  	s1 =	smov.u32 s0  }
0x8c: {  	p0 =	sne.s32 s0, $0xFFFFFC00;
	s0 =	sadd.s32 $0x400, s0;
	_ =	swait.ge [sflag:s26], $0x1F40  }
0x8d: {  	s1 =	sshra.s32 s1, $0x2;
	[sflag:s26] =	ssyncset.done $0x0  }
0x8e: {  	s5 =	sadd.s32 $0xB380, s1;
	[sflag:s26] =	ssyncadd.s32 $0xFFFFE0C0  }
0x8f: {  	[tilespmem:s20], [sflag:$0x2] =	stream.indirect.gather [hbm4b:s4+s17], $0x40, s5, s17, $0xb8;
	[tilespmem:$0x10680] =	vst v63  }
0x90: {  	_ =	swait.ge [sflag:s21], $0x1F40  }
0x91: {  	[sflag:s21] =	ssyncset.done $0x0  }
0x92: {  	s5 =	sadd.s32 $0xC700, s1;
	[sflag:s21] =	ssyncadd.s32 $0xFFFFE0C0  }
0x93: {  	[spmem:s2] =	stream.indirect.scatter.add.f32 [tilespmem:s18], [sflag:$0x3], $0x40, s5, s17, $0xb8;
	[tilespmem:$0x10680] =	vst v63  }
0x94: {  	_ =	swait.ge [sflag:s22], $0x1F40  }
0x95: {  	[sflag:s22] =	ssyncset.done $0x0  }
.Ltmp1:
0x96: {  	s5 =	sadd.s32 $0xB400, s1;
	[sflag:s22] =	ssyncadd.s32 $0xFFFFE0C0;
	(pc) =	sbr.rel @p0 .LBB2_4-.Ltmp1, $4  }
0x97: {  	[tilespmem:s18], [sflag:$0x1] =	stream.indirect.gather [hbm4b:s4+s17], $0x40, s5, s17, $0xb8;
	[tilespmem:$0x10680] =	vst v63  }
0x98: {  	_ =	swait.ge [sflag:s24], $0x1F40  }
0x99: {  	[sflag:s24] =	ssyncset.done $0x0  }
0x9a: {  	s1 =	sadd.s32 $0xC780, s1;
	[sflag:s24] =	ssyncadd.s32 $0xFFFFE0C0  }
0x9b: {  	[spmem:s2] =	stream.indirect.scatter.add.f32 [tilespmem:s20], [sflag:$0x4], $0x40, s1, s17, $0xb8;
	[tilespmem:$0x10680] =	vst v63  }
0x9c: {  	_ =	swait.ge [sflag:s26], $0x1F40  }
0x9d: {  	[sflag:s26] =	ssyncset.done $0x0  }
0x9e: {  	[sflag:s26] =	ssyncadd.s32 $0xFFFFE0C0  }
0x9f: {  	[tilespmem:s20], [sflag:$0x2] =	stream.indirect.gather [hbm4b:s4+s17], $0x40, s28, s17, $0xb8;
	[tilespmem:$0x10680] =	vst v63  }
0xa0: {  	_ =	swait.ge [sflag:s21], $0x1F40  }
0xa1: {  	[sflag:s21] =	ssyncset.done $0x0  }
0xa2: {  	[sflag:s21] =	ssyncadd.s32 $0xFFFFE0C0  }
0xa3: {  	[spmem:s2] =	stream.indirect.scatter.add.f32 [tilespmem:s18], [sflag:$0x3], $0x40, s29, s17, $0xb8;
	[tilespmem:$0x10680] =	vst v63  }
0xa4: {  	_ =	swait.ge [sflag:s24], $0x1F40  }
0xa5: {  	[sflag:s24] =	ssyncset.done $0x0  }
0xa6: {  	[sflag:s24] =	ssyncadd.s32 $0xFFFFE0C0  }
0xa7: {  	[spmem:s2] =	stream.indirect.scatter.add.f32 [tilespmem:s20], [sflag:$0x4], $0x40, s30, s17, $0xb8;
	[tilespmem:$0x10680] =	vst v63  }
0xa8: {  	_ =	swait.ge [sflag:s22], $0x1F40  }
0xa9: {  	[sflag:s22] =	ssyncset.done $0x0  }
0xaa: {  	[sflag:s22] =	ssyncadd.s32 $0xFFFFE0C0  }
0xab: {  	_ =	swait.ge [sflag:s26], $0x1F40  }
0xac: {  	s31 =	sadd.s32 $0x1, s31;
	[sflag:s26] =	ssyncset.done $0x0  }
0xad: {  	p0 =	sne.s32 s31, s12;
	[sflag:s26] =	ssyncadd.s32 $0xFFFFE0C0  }
.Ltmp2:
0xae: {  	[bflag:$0x0] =	sbarrier.arrive $0xFFFF;
	(pc) =	sbr.rel @p0 .LBB2_1-.Ltmp2, $4  }
0xaf: {  	[hbm:s11], [sflag:s6] =	dma.local [spmem:s13], $0x1400  }
0xb0: {  	_ =	swait.ge [sflag:s14], $0x1400  }
0xb1: {  	[sflag:s14] =	ssyncset.done $0x0  }
0xb2: {  	[sflag:s14] =	ssyncadd.s32 $0xFFFFEC00  }
0xb3: {  	_ =	sfence.sel $0x180000  }
0xb4: {  	[bflag:$0x0] =	sbarrier.arrive $0xFFFF  }
0xb5: {  	_ =	strace $0x9000004D  }
0xb6: {  	s0 =	stileid.u32;
	[bflag:$0x2] =	sbarrier.arrive $0xFFFF  }
0xb7: {  	p0 =	sne.s32 s0, $0x0;
	s0 =	rddreg [dreg:$0x2]  }
0xb8: {  	s0 =	sadd.s32 @!p0 $0x100000, s0  }
0xb9: {  	[sflag:s0] =	ssyncadd.tile.s32 @!p0 $0x1;
	_ =	shalt  }
.Lfunc_end2:
_tile_overlayer_lowered:
.L_overlay_start_2:
0xba: {  	(tag) =	ssettag $0x2  }
0xbb: {  	s0 =	rddreg [dreg:$0x0];
	s2 =	stileid.u32  }
0xbc: {  	s1 =	rddreg [dreg:$0x1];
	p0 =	sne.s32 s2, $0x0  }
0xbd: {  	s3 =	rddreg [dreg:$0x2];
	[bflag:$0x3] =	sbarrier.arrive $0xFFFF;
	s2 =	simm.s32 @!p0 $0x1C05  }
0xbe: {  	[timem:s3], [sflag:s2] =	dma.local @!p0 [hbm:s0], s1  }
0xbf: {  	s0 =	simm.s32 @!p0 $0x5  }
0xc0: {  	_ =	swait.ge @!p0 [sflag:s0], s1  }
0xc1: {  	s1 =	ssub.s32 @!p0 $0x0, s1;
	[sflag:s0] =	ssyncset.done @!p0 $0x0  }
0xc2: {  	[sflag:s0] =	ssyncadd.s32 @!p0 s1  }
0xc3: {  	[bflag:$0x3] =	sbarrier.arrive $0xFFFF  }
0xc4: {  	_ =	shalt  }

// kernel: kernel.8.cloned.1.call-start
scs
__scs_entry_jumppad:
0x0: {  	(pc) =	sbr.rel $0x88, $3  }
0x1: {  	(tag) =	ssettag $0x0;
	lr =	simm.s32 $0x1  }
0x2: {  	[smem:$0x3F97] =	sst lr;
	_ =	strace $0xD0000000  }
0x3: {  	_ = 	snop  }
0x4: {  	_ = 	snop  }
0x5: {  	_ = 	snop  }
0x6: {  	_ = 	snop  }
0x7: {  	_ = 	snop  }
__scs_overlays_trampoline_lowered:
0x8: {  	[smem:$0x3FA6] =	sst s0  }
0x9: {  	[smem:$0x3FA7] =	sst s1  }
0xa: {  	[smem:$0x3FA8] =	sst s2  }
0xb: {  	[smem:$0x3FA9] =	sst s3  }
0xc: {  	[smem:$0x3FAA] =	sst s4  }
0xd: {  	[smem:$0x3FAB] =	sst s5  }
0xe: {  	[smem:$0x3FAC] =	sst s6  }
0xf: {  	[smem:$0x3FAD] =	sst s7  }
0x10: {  	[smem:$0x3FAE] =	sst s8  }
0x11: {  	[smem:$0x3FAF] =	sst s9;
	s0 =	simm.s32 @!p0 $0x0  }
0x12: {  	s1 =	sld [smem:$0x3F95];
	s0 =	simm.s32 @p0 $0x1  }
0x13: {  	[smem:$0x3FB0] =	sst s0;
	s0 =	simm.s32 @!p1 $0x0  }
0x14: {  	s2 =	sld [smem:$0x3F94];
	s0 =	simm.s32 @p1 $0x1  }
0x15: {  	[smem:$0x3FB1] =	sst s0;
	s0 =	simm.s32 @!p2 $0x0  }
0x16: {  	s3 =	sld [smem:$0x3FDB];
	s0 =	simm.s32 @p2 $0x1  }
0x17: {  	s4 =	simm.s32 $0x1BF5;
	[smem:$0x3FB3] =	sst s0  }
0x18: {  	s0 =	sld [smem:$0x3F96];
	_ =	swait.ge [sflag:s4], $0x0  }
0x19: {  	s7 =	sld [smem:$0x3F97]  }
0x1a: {  	s8 =	sadd.s32 $0xFFFFE003, lr  }
0x1b: {  	s9 =	sadd.s32 $0xFFFFFEF7, lr;
	s5 =	simm.s32 $0xFFFFFFFF;
	p2 =	slt.u32 s8, $0xFFFFF086  }
0x1c: {  	p1 =	slt.u32 s9, $0xF7A;
	s5 =	simm.s32 @!p2 $0x0  }
0x1d: {  	s5 =	simm.s32 @p1 $0x1;
	p0 =	seq.s32 s7, s2  }
0x1e: {  	s7 =	smul.u32 @!p0 $0xF7A, s2;
	p2 =	seq.s32 @!p0 s5, $0x0  }
0x1f: {  	s9 =	smul.u32 $0xF7A, s1;
	s8 =	simm.s32 @!p0 $0x1BF5;
	p2 =	por !p2, p0  }
0x20: {  	[sflag:s8] =	ssyncset.s32 @!p0 $0xFFFFF086;
	s6 =	sadd.s32 @!p0 s3, s7;
	s7 =	simm.s32 @!p0 $0x108  }
0x21: {  	s3 =	sadd.s32 s3, s9;
	s6 =	sadd.s32 @!p0 $0x88, s6;
	s7 =	simm.s32 @p2 $0x1082  }
0x22: {  	[simem:s7], [sflag:s8] =	dma.local @!p0 [hbm:s6], $0xF7A  }
0x23: {  	s9 =	sor.u32 $0xD0000000, s2;
	s6 =	simm.s32 $0x108;
	_ =	swait.ge @!p0 [sflag:s8], $0x0  }
0x24: {  	s3 =	sadd.s32 $0x88, s3;
	s6 =	simm.s32 @!p1 $0x1082;
	[sflag:s4] =	ssyncset.s32 $0xFFFFF086  }
0x25: {  	[simem:s6], [sflag:s4] =	dma.local [hbm:s3], $0xF7A  }
0x26: {  	[smem:$0x3F97] =	sst s1;
	(tag) =	ssettag s2;
	_ =	strace s9  }
0x27: {  	s1 =	sld [smem:$0x3FA7]  }
0x28: {  	s2 =	sld [smem:$0x3FA8]  }
0x29: {  	s4 =	sld [smem:$0x3FAA]  }
0x2a: {  	p0 =	seq.s32 s5, $0x0;
	s5 =	sld [smem:$0x3FAB]  }
0x2b: {  	s6 =	sld [smem:$0x3FAC]  }
0x2c: {  	s7 =	sld [smem:$0x3FAD]  }
0x2d: {  	s3 =	simm.s32 $0x108;
	s8 =	sld [smem:$0x3FAE]  }
0x2e: {  	s3 =	simm.s32 @!p0 $0x1082;
	s9 =	sld [smem:$0x3FAF]  }
0x2f: {  	lr =	sadd.s32 s0, s3;
	s0 =	sld [smem:$0x3FA6]  }
0x30: {  	s3 =	sld [smem:$0x3FA9]  }
0x31: {  	[smem:$0x3FB2] =	sst s10  }
0x32: {  	s10 =	sld [smem:$0x3FB0];
	_ =	sdelay $0x3  }
0x33: {  	p0 =	seq.s32 s10, $0x1;
	s10 =	sld [smem:$0x3FB2];
	_ =	sdelay $0x3  }
0x34: {  	[smem:$0x3FB2] =	sst s10  }
0x35: {  	s10 =	sld [smem:$0x3FB1];
	_ =	sdelay $0x3  }
0x36: {  	p1 =	seq.s32 s10, $0x1;
	s10 =	sld [smem:$0x3FB2];
	_ =	sdelay $0x3  }
0x37: {  	[smem:$0x3FB2] =	sst s10  }
0x38: {  	s10 =	sld [smem:$0x3FB3]  }
0x39: {  	_ = 	snop;
	(pc) =	sbr.ind lr, $3  }
0x3a: {  	_ = 	snop  }
0x3b: {  	_ = 	snop  }
0x3c: {  	p2 =	seq.s32 s10, $0x1;
	s10 =	sld [smem:$0x3FB2]  }
0x3d: {  	_ =	shalt  }
0x3e: {  	_ =	shalt  }
0x3f: {  	_ =	shalt  }
0x40: {  	_ =	shalt  }
0x41: {  	_ =	shalt  }
0x42: {  	_ =	shalt  }
0x43: {  	_ =	shalt  }
0x44: {  	_ =	shalt  }
0x45: {  	_ =	shalt  }
0x46: {  	_ =	shalt  }
0x47: {  	_ =	shalt  }
0x48: {  	_ =	shalt  }
0x49: {  	_ =	shalt  }
0x4a: {  	_ =	shalt  }
0x4b: {  	_ =	shalt  }
0x4c: {  	_ =	shalt  }
0x4d: {  	_ =	shalt  }
0x4e: {  	_ =	shalt  }
0x4f: {  	_ =	shalt  }
0x50: {  	_ =	shalt  }
0x51: {  	_ =	shalt  }
0x52: {  	_ =	shalt  }
0x53: {  	_ =	shalt  }
0x54: {  	_ =	shalt  }
0x55: {  	_ =	shalt  }
0x56: {  	_ =	shalt  }
0x57: {  	_ =	shalt  }
0x58: {  	_ =	shalt  }
0x59: {  	_ =	shalt  }
0x5a: {  	_ =	shalt  }
0x5b: {  	_ =	shalt  }
0x5c: {  	_ =	shalt  }
0x5d: {  	_ =	shalt  }
0x5e: {  	_ =	shalt  }
0x5f: {  	_ =	shalt  }
0x60: {  	_ =	shalt  }
0x61: {  	_ =	shalt  }
0x62: {  	_ =	shalt  }
0x63: {  	_ =	shalt  }
0x64: {  	_ =	shalt  }
0x65: {  	_ =	shalt  }
0x66: {  	_ =	shalt  }
0x67: {  	_ =	shalt  }
0x68: {  	_ =	shalt  }
0x69: {  	_ =	shalt  }
0x6a: {  	_ =	shalt  }
0x6b: {  	_ =	shalt  }
0x6c: {  	_ =	shalt  }
0x6d: {  	_ =	shalt  }
0x6e: {  	_ =	shalt  }
0x6f: {  	_ =	shalt  }
0x70: {  	_ =	shalt  }
0x71: {  	_ =	shalt  }
0x72: {  	_ =	shalt  }
0x73: {  	_ =	shalt  }
0x74: {  	_ =	shalt  }
0x75: {  	_ =	shalt  }
0x76: {  	_ =	shalt  }
0x77: {  	_ =	shalt  }
0x78: {  	_ =	shalt  }
0x79: {  	_ =	shalt  }
0x7a: {  	_ =	shalt  }
0x7b: {  	_ =	shalt  }
0x7c: {  	_ =	shalt  }
0x7d: {  	_ =	shalt  }
0x7e: {  	_ =	shalt  }
0x7f: {  	_ =	shalt  }
0x80: {  	_ =	shalt  }
0x81: {  	_ =	shalt  }
0x82: {  	_ =	shalt  }
0x83: {  	_ =	shalt  }
0x84: {  	_ =	shalt  }
0x85: {  	_ =	shalt  }
0x86: {  	_ =	shalt  }
0x87: {  	_ =	shalt  }
.Lfunc_end0:
.L_simem_size_0:
called_computation_lowered:
.L_overlay_start_0:
0x88: {  	s2 =	sld [smem:$0x3FD9]  }
0x89: {  	s3 =	sld [smem:$0x3FFE];
	_ =	sdelay $0x1  }
0x8a: {  	s1 =	srdreg.scid  }
0x8b: {  	s0 =	sand.u32 $0x1, s1  }
0x8c: {  	s17 =	sshll.u32 s0, $0xA;
	s2 =	sadd.s32 s3, s2  }
0x8d: {  	s2 =	sadd.s32 s2, s17  }
0x8e: {  	[smem:$0x3FBE] =	sst s2  }
0x8f: {  	_ = 	snop  }
0x90: {  	s2 =	sld [smem:$0x3FD0];
	(tm) =	ssettm $0x1  }
0x91: {  	s18 =	sld [smem:$0x3FFB];
	_ =	sdelay $0x3  }
0x92: {  	_ =	strace s18  }
0x93: {  	s3 =	sld [smem:$0x3FFC];
	_ =	sdelay $0x3  }
0x94: {  	_ =	strace s3  }
0x95: {  	s3 =	sld [smem:$0x3FFD];
	_ =	sdelay $0x3  }
0x96: {  	_ =	strace s3  }
0x97: {  	_ =	strace $0x8FFFFFFF  }
0x98: {  	s19 =	sld [smem:$0x3FDB];
	_ =	sdelay $0x1  }
0x99: {  	s4 =	simm.s32 $_scs_section_size  }
0x9a: {  	s5 =	simm.s32 $_size__tile_overlayer_lowered;
	s6 =	simm.s32 $_tile_overlayer_lowered  }
0x9b: {  	s22 =	simm.s32 $0x1BFF;
	s21 =	sshll.u32 s6, $0x1;
	s3 =	sadd.s32 s4, s19  }
0x9c: {  	s7 =	simm.s32 $0x0;
	s20 =	sshll.u32 s5, $0x1;
	s5 =	sadd.s32 s21, s3  }
0x9d: {  	[timem:s7], [sflag:s22] =	dma.local [hbm:s5], s20  }
0x9e: {  	_ =	swait.ge [sflag:s22], s20  }
0x9f: {  	s4 =	ssub.s32 $0x0, s20;
	[sflag:s22] =	ssyncset.done $0x0  }
0xa0: {  	[sflag:s22] =	ssyncadd.s32 s4;
	_ =	sdelay $0x1  }
0xa1: {  	s23 =	simm.s32 $0x1B8B  }
0xa2: {  	_ =	swait.ge [sflag:s23], $0x1  }
0xa3: {  	[sflag:s23] =	ssyncset.done $0x0  }
0xa4: {  	s25 =	simm.s32 $0x1B8E;
	s24 =	sld [smem:$0x3FFE];
	[sflag:s23] =	ssyncadd.s32 $0xFFFFFFFF  }
0xa5: {  	s26 =	simm.s32 $execute0_lowered;
	[smem:$0x3FD2] =	sst s25  }
0xa6: {  	s5 =	sshll.u32 s26, $0x1;
	_ =	strace $0x80000046;
	[dreg:$0x1] =	wrdreg $0xFFFFFFFF  }
0xa7: {  	s28 =	simm.s32 $_size_execute0_lowered;
	s3 =	sadd.s32 s3, s5;
	[dreg:$0x0] =	wrdreg $0x0  }
0xa8: {  	s5 =	sshll.u32 s28, $0x1;
	[dreg:$0x2] =	wrdreg s3  }
0xa9: {  	[dreg:$0x3] =	wrdreg s5  }
0xaa: {  	[dreg:$0x4] =	wrdreg $0xC0  }
0xab: {  	_ =	task [dreg:s7], $0x5FFFF  }
0xac: {  	[dreg:$0x1] =	wrdreg $0xFFFFFFFF  }
0xad: {  	[dreg:$0x0] =	wrdreg $0x60  }
0xae: {  	[dreg:$0x2] =	wrdreg s24  }
0xaf: {  	[dreg:$0x3] =	wrdreg s2  }
0xb0: {  	[dreg:$0x4] =	wrdreg $0x28800  }
0xb1: {  	[dreg:$0x5] =	wrdreg $0x9  }
0xb2: {  	_ =	task.clear_ibuf [dreg:s7], $0x6FFFF;
	_ =	strace $0x90000046  }
0xb3: {  	s29 =	simm.s32 $0x9;
	_ =	strace $0x80000048  }
0xb4: {  	_ =	swait.ge [sflag:s29], $0x1  }
0xb5: {  	[sflag:s29] =	ssyncadd.s32 $0xFFFFFFFF  }
0xb6: {  	_ =	strace $0x90000048  }
0xb7: {  	_ =	sfence  }
0xb8: {  	s30 =	sld [smem:$0x0];
	_ =	sdelay $0x2  }
0xb9: {  	s31 =	sshll.u32 s1, $0xD;
	s1 =	sshrl.u32 s1, $0x2  }
0xba: {  	s3 =	sand.u32 $0x4000, s31;
	s1 =	sadd.s32 s1, s30  }
0xbb: {  	s0 =	sor.u32 s3, s0;
	s1 =	sshll.u32 s1, $0x11  }
0xbc: {  	s0 =	sor.u32 s1, s0  }
0xbd: {  	s0 =	sadd.s32 $0x8F2B, s0  }
0xbe: {  	[sflag:s0] =	ssyncadd.remote.s32 $0x1  }
0xbf: {  	_ =	sfence.sel $0xFFFF  }
0xc0: {  	[dreg:$0x0] =	wrdreg $0xFFFFFFFF;
	(pc) =	sbr.abs _section_cstart, $3  }
0xc1: {  	[dreg:$0x1] =	wrdreg $0xFFFFFFFF  }
0xc2: {  	_ =	task.clear_ibuf [dreg:s7], $0x2FFFF;
	_ =	strace $0x9FFFFFFF  }
0xc3: {  	(tm) =	ssettm $0x7FFFFFFF  }
tec
execute0_lowered:
.L_overlay_start_1:
0x0: {  	(tag) =	ssettag $0x1  }
0x1: {  	s5 =	rddreg [dreg:$0x0]  }
0x2: {  	s7 =	rddreg [dreg:$0x1]  }
0x3: {  	s0 =	srdreg.scid;
	s2 =	rddreg [dreg:$0x2]  }
0x4: {  	s3 =	simm.s32 $0x0;
	s13 =	simm.s32 $0x7D;
	s14 =	simm.s32 $0x1  }
0x5: {  	s15 =	simm.s32 $0x20;
	s16 =	simm.s32 $0x10;
	s17 =	simm.s32 $0x0  }
0x6: {  	s6 =	sand.u32 $0x1, s0;
	s0 =	stileid.u32;
	[smem:$0x7FF] =	sst s3  }
0x7: {  	s1 =	sshll.u32 s6, $0x4;
	s8 =	smul.u32 $0x280, s0;
	s11 =	ssub.s32 $0x2, s6  }
0x8: {  	s12 =	smul.u32 $0x500, s0;
	s6 =	sshll.u32 s6, $0x7;
	s31 =	sshll.u32 s0, $0x6  }
0x9: {  	s4 =	sor.u32 s0, s1;
	s1 =	rddreg [dreg:$0x3];
	_ =	strace $0x80000047  }
0xa: {  	s26 =	sshrl.u32 s11, $0x1;
	s4 =	smul.u32 $0x500, s4;
	s10 =	sshrl.u32 s8, $0x3  }
0xb: {  	s11 =	ssub.s32 s11, s26;
	s28 =	sor.u32 s6, s12;
	s29 =	sadd.s32 s8, s2  }
0xc: {  	s10 =	sadd.s32 s10, s5;
	s30 =	sshrl.u32 s28, $0x3;
	s8 =	smax.u32 s11, $0x1  }
0xd: {  	s11 =	sor.u32 $0x1C02, s31;
	s12 =	sshrl.u32 s29, $0x3;
	s9 =	sadd.s32 s4, s5  }
0xe: {  	s4 =	sadd.s32 $0xC600, s5;
	s6 =	sadd.s32 $0xC000, s10;
	s7 =	sadd.s32 s7, s30  }
0xf: {  	s10 =	simm.s32 $0x2;
	s5 =	sadd.s32 $0x2000, s9;
	s9 =	simm.s32 $0x2800  }
.LBB2_1:
0x10: {  	[tilespmem:s9], [sflag:$0x2] =	stream.linear.gather [hbm4b:s4+s3], $0x80, $0x38;
	[tilespmem:$0x2B00] =	vst v63  }
0x11: {  	_ =	swait.ge [sflag:s10], $0x80  }
0x12: {  	[sflag:s10] =	ssyncset.done $0x0  }
0x13: {  	[sflag:s10] =	ssyncadd.s32 $0xFFFFFF80  }
0x14: {  	[tilespmem:s3], [sflag:$0x2] =	stream.linear.gather [hbm4b:s5+s3], $0x2800, $0x38;
	[tilespmem:$0x2B00] =	vst v63  }
0x15: {  	_ =	swait.ge [sflag:s10], $0x2800  }
0x16: {  	[sflag:s10] =	ssyncset.done $0x0  }
0x17: {  	[sflag:s10] =	ssyncadd.s32 $0xFFFFD800  }
0x18: {  	[spmem:s12], [sflag:s11] =	dma.local [hbm:s6], $0x50  }
0x19: {  	_ =	swait.ge [sflag:s10], $0x50  }
0x1a: {  	[sflag:s10] =	ssyncset.done $0x0  }
0x1b: {  	[sflag:s10] =	ssyncadd.s32 $0xFFFFFFB0  }
0x1c: {  	s18 =	simm.s32 $0x0;
	[bflag:$0x0] =	sbarrier.arrive $0xFFFF  }
0x1d: {  	[spmem:s2] =	stream.indirect.scatter.add.f32 [tilespmem:s9], [sflag:$0x1], $0x1, s18, s13, $0xb8;
	[tilespmem:$0x2B00] =	vst v63  }
0x1e: {  	s29 =	simm.s32 $0x80  }
0x1f: {  	[spmem:s2] =	stream.indirect.scatter.add.f32 [tilespmem:s9], [sflag:$0x1], $0x1, s29, s13, $0xb8;
	[tilespmem:$0x2B00] =	vst v63  }
0x20: {  	s30 =	simm.s32 $0x100  }
0x21: {  	[spmem:s2] =	stream.indirect.scatter.add.f32 [tilespmem:s9], [sflag:$0x1], $0x1, s30, s13, $0xb8;
	[tilespmem:$0x2B00] =	vst v63  }
0x22: {  	s31 =	simm.s32 $0x180  }
0x23: {  	[spmem:s2] =	stream.indirect.scatter.add.f32 [tilespmem:s9], [sflag:$0x1], $0x1, s31, s13, $0xb8;
	[tilespmem:$0x2B00] =	vst v63  }
0x24: {  	s19 =	simm.s32 $0x200  }
0x25: {  	[spmem:s2] =	stream.indirect.scatter.add.f32 [tilespmem:s9], [sflag:$0x1], $0x1, s19, s13, $0xb8;
	[tilespmem:$0x2B00] =	vst v63  }
0x26: {  	s20 =	simm.s32 $0x280  }
0x27: {  	[spmem:s2] =	stream.indirect.scatter.add.f32 [tilespmem:s9], [sflag:$0x1], $0x1, s20, s13, $0xb8;
	[tilespmem:$0x2B00] =	vst v63  }
0x28: {  	s21 =	simm.s32 $0x300  }
0x29: {  	[spmem:s2] =	stream.indirect.scatter.add.f32 [tilespmem:s9], [sflag:$0x1], $0x1, s21, s13, $0xb8;
	[tilespmem:$0x2B00] =	vst v63  }
0x2a: {  	s22 =	simm.s32 $0x380  }
0x2b: {  	[spmem:s2] =	stream.indirect.scatter.add.f32 [tilespmem:s9], [sflag:$0x1], $0x1, s22, s13, $0xb8;
	[tilespmem:$0x2B00] =	vst v63  }
0x2c: {  	s23 =	simm.s32 $0x400  }
0x2d: {  	[spmem:s2] =	stream.indirect.scatter.add.f32 [tilespmem:s9], [sflag:$0x1], $0x1, s23, s13, $0xb8;
	[tilespmem:$0x2B00] =	vst v63  }
0x2e: {  	s24 =	simm.s32 $0x480  }
0x2f: {  	[spmem:s2] =	stream.indirect.scatter.add.f32 [tilespmem:s9], [sflag:$0x1], $0x1, s24, s13, $0xb8;
	[tilespmem:$0x2B00] =	vst v63  }
0x30: {  	s25 =	simm.s32 $0x500  }
0x31: {  	[spmem:s2] =	stream.indirect.scatter.add.f32 [tilespmem:s9], [sflag:$0x1], $0x1, s25, s13, $0xb8;
	[tilespmem:$0x2B00] =	vst v63  }
0x32: {  	s26 =	simm.s32 $0x580  }
0x33: {  	[spmem:s2] =	stream.indirect.scatter.add.f32 [tilespmem:s9], [sflag:$0x1], $0x1, s26, s13, $0xb8;
	[tilespmem:$0x2B00] =	vst v63  }
0x34: {  	s28 =	simm.s32 $0x600  }
0x35: {  	[spmem:s2] =	stream.indirect.scatter.add.f32 [tilespmem:s9], [sflag:$0x1], $0x1, s28, s13, $0xb8;
	[tilespmem:$0x2B00] =	vst v63  }
0x36: {  	s29 =	simm.s32 $0x680  }
0x37: {  	[spmem:s2] =	stream.indirect.scatter.add.f32 [tilespmem:s9], [sflag:$0x1], $0x1, s29, s13, $0xb8;
	[tilespmem:$0x2B00] =	vst v63  }
0x38: {  	s30 =	simm.s32 $0x700  }
0x39: {  	[spmem:s2] =	stream.indirect.scatter.add.f32 [tilespmem:s9], [sflag:$0x1], $0x1, s30, s13, $0xb8;
	[tilespmem:$0x2B00] =	vst v63  }
0x3a: {  	s31 =	simm.s32 $0x780  }
0x3b: {  	[spmem:s2] =	stream.indirect.scatter.add.f32 [tilespmem:s9], [sflag:$0x1], $0x1, s31, s13, $0xb8;
	[tilespmem:$0x2B00] =	vst v63  }
0x3c: {  	_ =	swait.ge [sflag:s14], $0x7D  }
0x3d: {  	[sflag:s14] =	ssyncset.done $0x0  }
0x3e: {  	[sflag:s14] =	ssyncadd.s32 $0xFFFFFF83  }
0x3f: {  	_ =	swait.ge [sflag:s14], $0x7D  }
0x40: {  	[sflag:s14] =	ssyncset.done $0x0  }
0x41: {  	[sflag:s14] =	ssyncadd.s32 $0xFFFFFF83  }
0x42: {  	_ =	swait.ge [sflag:s14], $0x7D  }
0x43: {  	[sflag:s14] =	ssyncset.done $0x0  }
0x44: {  	[sflag:s14] =	ssyncadd.s32 $0xFFFFFF83  }
0x45: {  	_ =	swait.ge [sflag:s14], $0x7D  }
0x46: {  	[sflag:s14] =	ssyncset.done $0x0  }
0x47: {  	[sflag:s14] =	ssyncadd.s32 $0xFFFFFF83  }
0x48: {  	_ =	swait.ge [sflag:s14], $0x7D  }
0x49: {  	[sflag:s14] =	ssyncset.done $0x0  }
0x4a: {  	[sflag:s14] =	ssyncadd.s32 $0xFFFFFF83  }
0x4b: {  	_ =	swait.ge [sflag:s14], $0x7D  }
0x4c: {  	[sflag:s14] =	ssyncset.done $0x0  }
0x4d: {  	[sflag:s14] =	ssyncadd.s32 $0xFFFFFF83  }
0x4e: {  	_ =	swait.ge [sflag:s14], $0x7D  }
0x4f: {  	[sflag:s14] =	ssyncset.done $0x0  }
0x50: {  	[sflag:s14] =	ssyncadd.s32 $0xFFFFFF83  }
0x51: {  	_ =	swait.ge [sflag:s14], $0x7D  }
0x52: {  	[sflag:s14] =	ssyncset.done $0x0  }
0x53: {  	[sflag:s14] =	ssyncadd.s32 $0xFFFFFF83  }
0x54: {  	_ =	swait.ge [sflag:s14], $0x7D  }
0x55: {  	[sflag:s14] =	ssyncset.done $0x0  }
0x56: {  	[sflag:s14] =	ssyncadd.s32 $0xFFFFFF83  }
0x57: {  	_ =	swait.ge [sflag:s14], $0x7D  }
0x58: {  	[sflag:s14] =	ssyncset.done $0x0  }
0x59: {  	[sflag:s14] =	ssyncadd.s32 $0xFFFFFF83  }
0x5a: {  	_ =	swait.ge [sflag:s14], $0x7D  }
0x5b: {  	[sflag:s14] =	ssyncset.done $0x0  }
0x5c: {  	[sflag:s14] =	ssyncadd.s32 $0xFFFFFF83  }
0x5d: {  	_ =	swait.ge [sflag:s14], $0x7D  }
0x5e: {  	[sflag:s14] =	ssyncset.done $0x0  }
0x5f: {  	[sflag:s14] =	ssyncadd.s32 $0xFFFFFF83  }
0x60: {  	_ =	swait.ge [sflag:s14], $0x7D  }
0x61: {  	[sflag:s14] =	ssyncset.done $0x0  }
0x62: {  	[sflag:s14] =	ssyncadd.s32 $0xFFFFFF83  }
0x63: {  	_ =	swait.ge [sflag:s14], $0x7D  }
0x64: {  	[sflag:s14] =	ssyncset.done $0x0  }
0x65: {  	[sflag:s14] =	ssyncadd.s32 $0xFFFFFF83  }
0x66: {  	_ =	swait.ge [sflag:s14], $0x7D  }
0x67: {  	[sflag:s14] =	ssyncset.done $0x0  }
0x68: {  	[sflag:s14] =	ssyncadd.s32 $0xFFFFFF83  }
0x69: {  	_ =	swait.ge [sflag:s14], $0x7D  }
0x6a: {  	s18 =	simm.s32 $0x2000;
	s21 =	simm.s32 $0x4000;
	[sflag:s14] =	ssyncset.done $0x0  }
.LBB2_2:
0x6b: {  	s20 =	sshra.s32 s18, $0x2  }
0x6c: {  	[sflag:s14] =	ssyncadd.s32 $0xFFFFFF83;
	s18 =	smov.u32 s21;
	s19 =	sadd.s32 $0x2000, s21  }
0x6d: {  	[spmem:s2] =	stream.indirect.scatter.add.f32 [tilespmem:s9], [sflag:$0x1], $0x1, s20, s13, $0xb8;
	[tilespmem:$0x2B00] =	vst v63  }
0x6e: {  	p0 =	sne.s32 s21, $0x8000;
	s21 =	sadd.s32 $0x80, s20  }
0x6f: {  	[spmem:s2] =	stream.indirect.scatter.add.f32 [tilespmem:s9], [sflag:$0x1], $0x1, s21, s13, $0xb8;
	[tilespmem:$0x2B00] =	vst v63  }
0x70: {  	s21 =	sadd.s32 $0x100, s20  }
0x71: {  	[spmem:s2] =	stream.indirect.scatter.add.f32 [tilespmem:s9], [sflag:$0x1], $0x1, s21, s13, $0xb8;
	[tilespmem:$0x2B00] =	vst v63  }
0x72: {  	s21 =	sadd.s32 $0x180, s20  }
0x73: {  	[spmem:s2] =	stream.indirect.scatter.add.f32 [tilespmem:s9], [sflag:$0x1], $0x1, s21, s13, $0xb8;
	[tilespmem:$0x2B00] =	vst v63  }
0x74: {  	s21 =	sadd.s32 $0x200, s20  }
0x75: {  	[spmem:s2] =	stream.indirect.scatter.add.f32 [tilespmem:s9], [sflag:$0x1], $0x1, s21, s13, $0xb8;
	[tilespmem:$0x2B00] =	vst v63  }
0x76: {  	s21 =	sadd.s32 $0x280, s20  }
0x77: {  	[spmem:s2] =	stream.indirect.scatter.add.f32 [tilespmem:s9], [sflag:$0x1], $0x1, s21, s13, $0xb8;
	[tilespmem:$0x2B00] =	vst v63  }
0x78: {  	s21 =	sadd.s32 $0x300, s20  }
0x79: {  	[spmem:s2] =	stream.indirect.scatter.add.f32 [tilespmem:s9], [sflag:$0x1], $0x1, s21, s13, $0xb8;
	[tilespmem:$0x2B00] =	vst v63  }
0x7a: {  	s21 =	sadd.s32 $0x380, s20  }
0x7b: {  	[spmem:s2] =	stream.indirect.scatter.add.f32 [tilespmem:s9], [sflag:$0x1], $0x1, s21, s13, $0xb8;
	[tilespmem:$0x2B00] =	vst v63  }
0x7c: {  	s21 =	sadd.s32 $0x400, s20  }
0x7d: {  	[spmem:s2] =	stream.indirect.scatter.add.f32 [tilespmem:s9], [sflag:$0x1], $0x1, s21, s13, $0xb8;
	[tilespmem:$0x2B00] =	vst v63  }
0x7e: {  	s21 =	sadd.s32 $0x480, s20  }
0x7f: {  	[spmem:s2] =	stream.indirect.scatter.add.f32 [tilespmem:s9], [sflag:$0x1], $0x1, s21, s13, $0xb8;
	[tilespmem:$0x2B00] =	vst v63  }
0x80: {  	s21 =	sadd.s32 $0x500, s20  }
0x81: {  	[spmem:s2] =	stream.indirect.scatter.add.f32 [tilespmem:s9], [sflag:$0x1], $0x1, s21, s13, $0xb8;
	[tilespmem:$0x2B00] =	vst v63  }
0x82: {  	s21 =	sadd.s32 $0x580, s20  }
0x83: {  	[spmem:s2] =	stream.indirect.scatter.add.f32 [tilespmem:s9], [sflag:$0x1], $0x1, s21, s13, $0xb8;
	[tilespmem:$0x2B00] =	vst v63  }
0x84: {  	s21 =	sadd.s32 $0x600, s20  }
0x85: {  	[spmem:s2] =	stream.indirect.scatter.add.f32 [tilespmem:s9], [sflag:$0x1], $0x1, s21, s13, $0xb8;
	[tilespmem:$0x2B00] =	vst v63  }
0x86: {  	s21 =	sadd.s32 $0x680, s20  }
0x87: {  	[spmem:s2] =	stream.indirect.scatter.add.f32 [tilespmem:s9], [sflag:$0x1], $0x1, s21, s13, $0xb8;
	[tilespmem:$0x2B00] =	vst v63  }
0x88: {  	s21 =	sadd.s32 $0x700, s20  }
0x89: {  	[spmem:s2] =	stream.indirect.scatter.add.f32 [tilespmem:s9], [sflag:$0x1], $0x1, s21, s13, $0xb8;
	[tilespmem:$0x2B00] =	vst v63  }
0x8a: {  	s20 =	sadd.s32 $0x780, s20  }
0x8b: {  	[spmem:s2] =	stream.indirect.scatter.add.f32 [tilespmem:s9], [sflag:$0x1], $0x1, s20, s13, $0xb8;
	[tilespmem:$0x2B00] =	vst v63  }
0x8c: {  	_ =	swait.ge [sflag:s14], $0x7D  }
0x8d: {  	[sflag:s14] =	ssyncset.done $0x0  }
0x8e: {  	[sflag:s14] =	ssyncadd.s32 $0xFFFFFF83  }
0x8f: {  	_ =	swait.ge [sflag:s14], $0x7D  }
0x90: {  	[sflag:s14] =	ssyncset.done $0x0  }
0x91: {  	[sflag:s14] =	ssyncadd.s32 $0xFFFFFF83  }
0x92: {  	_ =	swait.ge [sflag:s14], $0x7D  }
0x93: {  	[sflag:s14] =	ssyncset.done $0x0  }
0x94: {  	[sflag:s14] =	ssyncadd.s32 $0xFFFFFF83  }
0x95: {  	_ =	swait.ge [sflag:s14], $0x7D  }
0x96: {  	[sflag:s14] =	ssyncset.done $0x0  }
0x97: {  	[sflag:s14] =	ssyncadd.s32 $0xFFFFFF83  }
0x98: {  	_ =	swait.ge [sflag:s14], $0x7D  }
0x99: {  	[sflag:s14] =	ssyncset.done $0x0  }
0x9a: {  	[sflag:s14] =	ssyncadd.s32 $0xFFFFFF83  }
0x9b: {  	_ =	swait.ge [sflag:s14], $0x7D  }
0x9c: {  	[sflag:s14] =	ssyncset.done $0x0  }
0x9d: {  	[sflag:s14] =	ssyncadd.s32 $0xFFFFFF83  }
0x9e: {  	_ =	swait.ge [sflag:s14], $0x7D  }
0x9f: {  	[sflag:s14] =	ssyncset.done $0x0  }
0xa0: {  	[sflag:s14] =	ssyncadd.s32 $0xFFFFFF83  }
0xa1: {  	_ =	swait.ge [sflag:s14], $0x7D  }
0xa2: {  	[sflag:s14] =	ssyncset.done $0x0  }
0xa3: {  	[sflag:s14] =	ssyncadd.s32 $0xFFFFFF83  }
0xa4: {  	_ =	swait.ge [sflag:s14], $0x7D  }
0xa5: {  	[sflag:s14] =	ssyncset.done $0x0  }
0xa6: {  	[sflag:s14] =	ssyncadd.s32 $0xFFFFFF83  }
0xa7: {  	_ =	swait.ge [sflag:s14], $0x7D  }
0xa8: {  	[sflag:s14] =	ssyncset.done $0x0  }
0xa9: {  	[sflag:s14] =	ssyncadd.s32 $0xFFFFFF83  }
0xaa: {  	_ =	swait.ge [sflag:s14], $0x7D  }
0xab: {  	[sflag:s14] =	ssyncset.done $0x0  }
0xac: {  	[sflag:s14] =	ssyncadd.s32 $0xFFFFFF83  }
0xad: {  	_ =	swait.ge [sflag:s14], $0x7D  }
0xae: {  	[sflag:s14] =	ssyncset.done $0x0  }
0xaf: {  	[sflag:s14] =	ssyncadd.s32 $0xFFFFFF83  }
0xb0: {  	_ =	swait.ge [sflag:s14], $0x7D  }
0xb1: {  	[sflag:s14] =	ssyncset.done $0x0  }
0xb2: {  	[sflag:s14] =	ssyncadd.s32 $0xFFFFFF83  }
0xb3: {  	_ =	swait.ge [sflag:s14], $0x7D  }
0xb4: {  	[sflag:s14] =	ssyncset.done $0x0  }
0xb5: {  	[sflag:s14] =	ssyncadd.s32 $0xFFFFFF83  }
.Ltmp0:
0xb6: {  	_ =	swait.ge [sflag:s14], $0x7D;
	(pc) =	sbr.rel @p0 .LBB2_2-.Ltmp0, $4  }
0xb7: {  	[sflag:s14] =	ssyncset.done $0x0  }
0xb8: {  	[sflag:s14] =	ssyncadd.s32 $0xFFFFFF83  }
0xb9: {  	_ =	swait.ge [sflag:s14], $0x7D  }
0xba: {  	s21 =	smov.u32 s19;
	[sflag:s14] =	ssyncset.done $0x0  }
0xbb: {  	s18 =	sshra.s32 s18, $0x2;
	[sflag:s14] =	ssyncadd.s32 $0xFFFFFF83  }
0xbc: {  	[spmem:s2] =	stream.indirect.scatter.add.f32 [tilespmem:s9], [sflag:$0x1], $0x1, s18, s13, $0xb8;
	[tilespmem:$0x2B00] =	vst v63  }
0xbd: {  	s19 =	sadd.s32 $0x80, s18  }
0xbe: {  	[spmem:s2] =	stream.indirect.scatter.add.f32 [tilespmem:s9], [sflag:$0x1], $0x1, s19, s13, $0xb8;
	[tilespmem:$0x2B00] =	vst v63  }
0xbf: {  	s30 =	sadd.s32 $0x100, s18  }
0xc0: {  	[spmem:s2] =	stream.indirect.scatter.add.f32 [tilespmem:s9], [sflag:$0x1], $0x1, s30, s13, $0xb8;
	[tilespmem:$0x2B00] =	vst v63  }
0xc1: {  	s31 =	sadd.s32 $0x180, s18  }
0xc2: {  	[spmem:s2] =	stream.indirect.scatter.add.f32 [tilespmem:s9], [sflag:$0x1], $0x1, s31, s13, $0xb8;
	[tilespmem:$0x2B00] =	vst v63  }
0xc3: {  	s20 =	sadd.s32 $0x200, s18  }
0xc4: {  	[spmem:s2] =	stream.indirect.scatter.add.f32 [tilespmem:s9], [sflag:$0x1], $0x1, s20, s13, $0xb8;
	[tilespmem:$0x2B00] =	vst v63  }
0xc5: {  	s21 =	sadd.s32 $0x280, s18  }
0xc6: {  	[spmem:s2] =	stream.indirect.scatter.add.f32 [tilespmem:s9], [sflag:$0x1], $0x1, s21, s13, $0xb8;
	[tilespmem:$0x2B00] =	vst v63  }
0xc7: {  	s22 =	sadd.s32 $0x300, s18  }
0xc8: {  	[spmem:s2] =	stream.indirect.scatter.add.f32 [tilespmem:s9], [sflag:$0x1], $0x1, s22, s13, $0xb8;
	[tilespmem:$0x2B00] =	vst v63  }
0xc9: {  	s23 =	sadd.s32 $0x380, s18  }
0xca: {  	[spmem:s2] =	stream.indirect.scatter.add.f32 [tilespmem:s9], [sflag:$0x1], $0x1, s23, s13, $0xb8;
	[tilespmem:$0x2B00] =	vst v63  }
0xcb: {  	s24 =	sadd.s32 $0x400, s18  }
0xcc: {  	[spmem:s2] =	stream.indirect.scatter.add.f32 [tilespmem:s9], [sflag:$0x1], $0x1, s24, s13, $0xb8;
	[tilespmem:$0x2B00] =	vst v63  }
0xcd: {  	s25 =	sadd.s32 $0x480, s18  }
0xce: {  	[spmem:s2] =	stream.indirect.scatter.add.f32 [tilespmem:s9], [sflag:$0x1], $0x1, s25, s13, $0xb8;
	[tilespmem:$0x2B00] =	vst v63  }
0xcf: {  	s26 =	sadd.s32 $0x500, s18  }
0xd0: {  	[spmem:s2] =	stream.indirect.scatter.add.f32 [tilespmem:s9], [sflag:$0x1], $0x1, s26, s13, $0xb8;
	[tilespmem:$0x2B00] =	vst v63  }
0xd1: {  	s28 =	sadd.s32 $0x580, s18  }
0xd2: {  	[spmem:s2] =	stream.indirect.scatter.add.f32 [tilespmem:s9], [sflag:$0x1], $0x1, s28, s13, $0xb8;
	[tilespmem:$0x2B00] =	vst v63  }
0xd3: {  	s29 =	sadd.s32 $0x600, s18  }
0xd4: {  	[spmem:s2] =	stream.indirect.scatter.add.f32 [tilespmem:s9], [sflag:$0x1], $0x1, s29, s13, $0xb8;
	[tilespmem:$0x2B00] =	vst v63  }
0xd5: {  	s30 =	sadd.s32 $0x680, s18  }
0xd6: {  	[spmem:s2] =	stream.indirect.scatter.add.f32 [tilespmem:s9], [sflag:$0x1], $0x1, s30, s13, $0xb8;
	[tilespmem:$0x2B00] =	vst v63  }
0xd7: {  	s31 =	sadd.s32 $0x700, s18  }
0xd8: {  	[spmem:s2] =	stream.indirect.scatter.add.f32 [tilespmem:s9], [sflag:$0x1], $0x1, s31, s13, $0xb8;
	[tilespmem:$0x2B00] =	vst v63  }
0xd9: {  	s18 =	sadd.s32 $0x780, s18  }
0xda: {  	[spmem:s2] =	stream.indirect.scatter.add.f32 [tilespmem:s9], [sflag:$0x1], $0x1, s18, s13, $0xb8;
	[tilespmem:$0x2B00] =	vst v63  }
0xdb: {  	_ =	swait.ge [sflag:s14], $0x7D  }
0xdc: {  	[sflag:s14] =	ssyncset.done $0x0  }
0xdd: {  	[sflag:s14] =	ssyncadd.s32 $0xFFFFFF83  }
0xde: {  	_ =	swait.ge [sflag:s14], $0x7D  }
0xdf: {  	[sflag:s14] =	ssyncset.done $0x0  }
0xe0: {  	[sflag:s14] =	ssyncadd.s32 $0xFFFFFF83  }
0xe1: {  	_ =	swait.ge [sflag:s14], $0x7D  }
0xe2: {  	[sflag:s14] =	ssyncset.done $0x0  }
0xe3: {  	[sflag:s14] =	ssyncadd.s32 $0xFFFFFF83  }
0xe4: {  	_ =	swait.ge [sflag:s14], $0x7D  }
0xe5: {  	[sflag:s14] =	ssyncset.done $0x0  }
0xe6: {  	[sflag:s14] =	ssyncadd.s32 $0xFFFFFF83  }
0xe7: {  	_ =	swait.ge [sflag:s14], $0x7D  }
0xe8: {  	[sflag:s14] =	ssyncset.done $0x0  }
0xe9: {  	[sflag:s14] =	ssyncadd.s32 $0xFFFFFF83  }
0xea: {  	_ =	swait.ge [sflag:s14], $0x7D  }
0xeb: {  	[sflag:s14] =	ssyncset.done $0x0  }
0xec: {  	[sflag:s14] =	ssyncadd.s32 $0xFFFFFF83  }
0xed: {  	_ =	swait.ge [sflag:s14], $0x7D  }
0xee: {  	[sflag:s14] =	ssyncset.done $0x0  }
0xef: {  	[sflag:s14] =	ssyncadd.s32 $0xFFFFFF83  }
0xf0: {  	_ =	swait.ge [sflag:s14], $0x7D  }
0xf1: {  	[sflag:s14] =	ssyncset.done $0x0  }
0xf2: {  	[sflag:s14] =	ssyncadd.s32 $0xFFFFFF83  }
0xf3: {  	_ =	swait.ge [sflag:s14], $0x7D  }
0xf4: {  	[sflag:s14] =	ssyncset.done $0x0  }
0xf5: {  	[sflag:s14] =	ssyncadd.s32 $0xFFFFFF83  }
0xf6: {  	_ =	swait.ge [sflag:s14], $0x7D  }
0xf7: {  	[sflag:s14] =	ssyncset.done $0x0  }
0xf8: {  	[sflag:s14] =	ssyncadd.s32 $0xFFFFFF83  }
0xf9: {  	_ =	swait.ge [sflag:s14], $0x7D  }
0xfa: {  	[sflag:s14] =	ssyncset.done $0x0  }
0xfb: {  	[sflag:s14] =	ssyncadd.s32 $0xFFFFFF83  }
0xfc: {  	_ =	swait.ge [sflag:s14], $0x7D  }
0xfd: {  	[sflag:s14] =	ssyncset.done $0x0  }
0xfe: {  	[sflag:s14] =	ssyncadd.s32 $0xFFFFFF83  }
0xff: {  	_ =	swait.ge [sflag:s14], $0x7D  }
0x100: {  	[sflag:s14] =	ssyncset.done $0x0  }
0x101: {  	[sflag:s14] =	ssyncadd.s32 $0xFFFFFF83  }
0x102: {  	_ =	swait.ge [sflag:s14], $0x7D  }
0x103: {  	[sflag:s14] =	ssyncset.done $0x0  }
0x104: {  	[sflag:s14] =	ssyncadd.s32 $0xFFFFFF83  }
0x105: {  	_ =	swait.ge [sflag:s14], $0x7D  }
0x106: {  	[sflag:s14] =	ssyncset.done $0x0  }
0x107: {  	[sflag:s14] =	ssyncadd.s32 $0xFFFFFF83  }
0x108: {  	_ =	swait.ge [sflag:s14], $0x7D  }
0x109: {  	s17 =	sadd.s32 $0x1, s17;
	[sflag:s14] =	ssyncset.done $0x0  }
0x10a: {  	p0 =	sne.s32 s17, s8;
	[sflag:s14] =	ssyncadd.s32 $0xFFFFFF83  }
.Ltmp1:
0x10b: {  	[bflag:$0x0] =	sbarrier.arrive $0xFFFF;
	(pc) =	sbr.rel @p0 .LBB2_1-.Ltmp1, $4  }
0x10c: {  	[hbm:s7@s15], [sflag:s11] =	dma.strided [spmem:s12@s16], $0x50, s14, $0x10   }
0x10d: {  	_ =	swait.ge [sflag:s10], $0x50  }
0x10e: {  	[sflag:s10] =	ssyncset.done $0x0  }
0x10f: {  	[sflag:s10] =	ssyncadd.s32 $0xFFFFFFB0  }
0x110: {  	_ =	sfence.sel $0x180000  }
0x111: {  	[bflag:$0x0] =	sbarrier.arrive $0xFFFF  }
0x112: {  	p0 =	sne.s32 s0, $0x0;
	_ =	strace $0x90000047  }
0x113: {  	s0 =	sadd.s32 @!p0 $0x100000, s1;
	[bflag:$0x2] =	sbarrier.arrive $0xFFFF  }
0x114: {  	[sflag:s0] =	ssyncadd.tile.s32 @!p0 $0x1;
	_ =	shalt  }
.Lfunc_end2:
_tile_overlayer_lowered:
.L_overlay_start_2:
0x115: {  	(tag) =	ssettag $0x2  }
0x116: {  	s0 =	rddreg [dreg:$0x0];
	s2 =	stileid.u32  }
0x117: {  	s1 =	rddreg [dreg:$0x1];
	p0 =	sne.s32 s2, $0x0  }
0x118: {  	s3 =	rddreg [dreg:$0x2];
	[bflag:$0x3] =	sbarrier.arrive $0xFFFF;
	s2 =	simm.s32 @!p0 $0x1C02  }
0x119: {  	[timem:s3], [sflag:s2] =	dma.local @!p0 [hbm:s0], s1  }
0x11a: {  	s0 =	simm.s32 @!p0 $0x2  }
0x11b: {  	_ =	swait.ge @!p0 [sflag:s0], s1  }
0x11c: {  	s1 =	ssub.s32 @!p0 $0x0, s1;
	[sflag:s0] =	ssyncset.done @!p0 $0x0  }
0x11d: {  	[sflag:s0] =	ssyncadd.s32 @!p0 s1  }
0x11e: {  	[bflag:$0x3] =	sbarrier.arrive $0xFFFF  }
0x11f: {  	_ =	shalt  }

</sc_bundles>
